<compile_context>
chip_gen: v7x
topology: tpu7x:2x2x1
jax: 0.10.2.dev20260603
libtpu: 0.0.44.dev20260713+nightly
codegen_flags: <defaults>
</compile_context>

<pallas_src>
import functools

import jax
import jax.numpy as jnp
from jax import lax
from jax.experimental import pallas as pl
from jax.experimental.pallas import tpu as pltpu
from jax.experimental.pallas import tpu_sc as plsc

NUM_EXPERTS = 8
TOPK = 2
HIDDEN = 2048
INTER = 4096
NTOKENS = 4096
NROWS = NTOKENS * TOPK

BM = 256
P = NROWS + NUM_EXPERTS * BM
NB = P // BM

NC = 2
NS = 16
NW = NC * NS

TPW = NTOKENS // NW
TCH = 8

_mesh = plsc.VectorSubcoreMesh(core_axis_name="c", subcore_axis_name="s")
_sc_params = pltpu.CompilerParams(use_tc_tiling_on_sc=True)


def _mm_body(gidx_ref, be_ref, x_hbm, w_hbm, sw_ref, o_ref, xbuf, wbuf, wbf, sems, wsem):
    m = pl.program_id(0)

    new_w = jnp.where(m == 0, True,
                      be_ref[m] != be_ref[jnp.maximum(m - 1, 0)])

    @pl.when(new_w)
    def _():
        pltpu.make_async_copy(w_hbm.at[be_ref[m]], wbuf, wsem).start()

    def transfer(slot, blk, start):
        if start:
            def one(i8, _):
                for u in range(8):
                    i = i8 * 8 + u
                    r = jnp.maximum(gidx_ref[blk * BM + i], 0)
                    pltpu.make_async_copy(
                        x_hbm.at[pl.ds(r, 1)],
                        xbuf.at[slot, pl.ds(i, 1)],
                        sems.at[slot]).start()
                return ()

            lax.fori_loop(0, BM // 8, one, ())
        else:
            pltpu.make_async_copy(
                x_hbm.at[pl.ds(0, BM)], xbuf.at[slot], sems.at[slot]).wait()

    @pl.when(m == 0)
    def _():
        transfer(0, 0, True)

    @pl.when(m + 1 < NB)
    def _():
        transfer((m + 1) % 2, m + 1, True)

    transfer(m % 2, m, False)

    @pl.when(new_w)
    def _():
        pltpu.make_async_copy(w_hbm.at[be_ref[m]], wbuf, wsem).wait()
        wbf[...] = wbuf[...].astype(jnp.bfloat16)

    def do_dot(slot):
        acc = jnp.dot(xbuf[slot].astype(jnp.bfloat16), wbf[...],
                      preferred_element_type=jnp.float32)
        o_ref[...] = acc * sw_ref[0, 0, :][:, None]

    @pl.when(m % 2 == 0)
    def _():
        do_dot(0)

    @pl.when(m % 2 == 1)
    def _():
        do_dot(1)


def _grouped_matmul(gidx, block_expert, x, w, sw):
    grid_spec = pltpu.PrefetchScalarGridSpec(
        num_scalar_prefetch=2,
        grid=(NB,),
        in_specs=[
            pl.BlockSpec(memory_space=pl.ANY),
            pl.BlockSpec(memory_space=pl.ANY),
            pl.BlockSpec((1, 1, BM), lambda m, g, be: (m, 0, 0)),
        ],
        out_specs=pl.BlockSpec((BM, HIDDEN), lambda m, g, be: (m, 0)),
        scratch_shapes=[
            pltpu.VMEM((2, BM, INTER), jnp.float32),
            pltpu.VMEM((INTER, HIDDEN), jnp.float32),
            pltpu.VMEM((INTER, HIDDEN), jnp.bfloat16),
            pltpu.SemaphoreType.DMA((2,)),
            pltpu.SemaphoreType.DMA,
        ],
    )
    return pl.pallas_call(
        _mm_body,
        grid_spec=grid_spec,
        out_shape=jax.ShapeDtypeStruct((P, HIDDEN), jnp.float32),
        compiler_params=pltpu.CompilerParams(
            dimension_semantics=("arbitrary",),
            vmem_limit_bytes=100 * 1024 * 1024,
        ),
    )(gidx, block_expert, x, w, sw)


@functools.partial(
    pl.kernel,
    mesh=_mesh,
    out_type=jax.ShapeDtypeStruct((NTOKENS, HIDDEN), jnp.float32),
    scratch_types=[
        pltpu.VMEM((2 * TPW,), jnp.int32),
        pltpu.VMEM((2 * TCH, HIDDEN), jnp.float32),
        pltpu.VMEM((TCH, HIDDEN), jnp.float32),
        pltpu.SemaphoreType.DMA,
    ],
    compiler_params=_sc_params,
)
def _combine(y_hbm, pidx_hbm, out_hbm, idx_v, rows_v, out_v, sem):
    wid = lax.axis_index("s") * NC + lax.axis_index("c")
    tbase = wid * TPW
    pltpu.sync_copy(pidx_hbm.at[pl.ds(tbase * 2, 2 * TPW)], idx_v)

    def chunk(c, _):
        t0 = tbase + c * TCH
        pltpu.async_copy(
            y_hbm.at[idx_v.at[pl.ds(c * 2 * TCH, 2 * TCH)]], rows_v, sem)
        pltpu.make_async_copy(
            y_hbm.at[idx_v.at[pl.ds(c * 2 * TCH, 2 * TCH)]], rows_v, sem).wait()

        def jloop(j, _):
            off = j * 16
            for i in range(TCH):
                out_v[i, pl.ds(off, 16)] = (
                    rows_v[i, pl.ds(off, 16)] + rows_v[i + TCH, pl.ds(off, 16)]
                )
            return ()

        lax.fori_loop(0, HIDDEN // 16, jloop, ())
        pltpu.sync_copy(out_v, out_hbm.at[pl.ds(t0, TCH)])
        return ()

    lax.fori_loop(0, TPW // TCH, chunk, ())


def kernel(intermediate_states, w, topk_ids, topk_weight):
    flat_ids = topk_ids.reshape(-1)
    flat_w = topk_weight.reshape(-1)

    onehot = (flat_ids[:, None] == jnp.arange(NUM_EXPERTS, dtype=jnp.int32)[None, :])
    counts = jnp.sum(onehot.astype(jnp.int32), axis=0)
    padded = ((counts + BM - 1) // BM) * BM
    ends = jnp.cumsum(padded)
    starts = ends - padded
    cstart = jnp.concatenate(
        [jnp.zeros((1,), jnp.int32), jnp.cumsum(counts)[:-1].astype(jnp.int32)])
    shift = starts - cstart

    block_expert = jnp.clip(
        jnp.searchsorted(ends, jnp.arange(NB, dtype=jnp.int32) * BM, side="right"),
        0, NUM_EXPERTS - 1).astype(jnp.int32)

    order = jnp.argsort(flat_ids, stable=True).astype(jnp.int32)
    slot_e = jnp.repeat(block_expert, BM)
    s = jnp.arange(P, dtype=jnp.int32)
    srank = s - shift[slot_e]
    valid = s < starts[slot_e] + counts[slot_e]
    gidx = jnp.where(valid, order[jnp.clip(srank, 0, NROWS - 1)], -1)
    sw = jnp.where(valid, flat_w[jnp.maximum(gidx, 0)], 0.0)

    inv_order = jnp.argsort(order, stable=True).astype(jnp.int32)
    pos = inv_order + shift[flat_ids]

    pidx = pos.reshape(NTOKENS // TCH, TCH, TOPK).transpose(0, 2, 1).reshape(-1)
    pidx = pidx.astype(jnp.int32)

    y = _grouped_matmul(gidx, block_expert, intermediate_states, w,
                        sw.reshape(NB, 1, BM))

    return _combine(y, pidx)

# --- scband reference (transcript-rebuilt; emitter-appended) ---
"""Pipeline reference for scband-torch-group-gemm-reduce-rs-61168924229673 (READ-ONLY COPY).

The authoritative reference and input builder live on the scoring server;
editing this copy changes nothing except your own understanding.
"""

import jax, jax.numpy as jnp
import numpy as np

NUM_EXPERTS = 8
TOPK = 2
HIDDEN = 2048
INTER = 4096
NTOKENS = 4096  # batch=2 * seq=2048


def setup_inputs(seed: int = 0) -> dict:
    key = jax.random.key(seed)
    k1, k2, k3, k4 = jax.random.split(key, 4)
    intermediate_states = jax.random.normal(k1, (NTOKENS * TOPK, INTER), dtype=jnp.float32) * 0.02
    w = jax.random.normal(k2, (NUM_EXPERTS, INTER, HIDDEN), dtype=jnp.float32) * 0.02
    # topk ids/weights are precomputed in the torch module from router_logits at init;
    # here they are materialized directly as inputs (ids in [0, NUM_EXPERTS)).
    topk_ids = jax.random.randint(k3, (NTOKENS, TOPK), 0, NUM_EXPERTS, dtype=jnp.int32)
    topk_weight = jax.random.uniform(k4, (NTOKENS, TOPK), dtype=jnp.float32)
    return {
        "intermediate_states": intermediate_states,
        "w": w,
        "topk_ids": topk_ids,
        "topk_weight": topk_weight,
    }


def reference(intermediate_states, w, topk_ids, topk_weight):
    num_tokens_topk = intermediate_states.shape[0]
    ntokens = num_tokens_topk // TOPK
    flat_ids = topk_ids.reshape(-1)
    flat_w = topk_weight.reshape(-1)
    out = jnp.zeros((num_tokens_topk, HIDDEN), dtype=jnp.float32)
    # grouped GEMM: for each expert, run the masked rows through that expert's weight
    for i in range(NUM_EXPERTS):
        mask = flat_ids == i
        expert_out = (intermediate_states @ w[i]) * flat_w[:, None]
        out = jnp.where(mask[:, None], expert_out, out)
    # combine top-k expert outputs per token
    output = jnp.sum(out.reshape(ntokens, TOPK, HIDDEN), axis=1)
    # reduce_scatter over world_size=1 process group is the identity
    return output

if __name__ == "__main__":
    import jax
    _d = setup_inputs()
    print(jax.jit(kernel)(*tuple(_d.values())))

</pallas_src>

<mosaic_0001>
#map = affine_map<(d0, d1) -> (0, 0)>
#map1 = affine_map<(d0, d1) -> (0)>
module attributes {stable_mosaic.version = 14 : i64} {
  func.func @_combine(%arg0: i32, %arg1: i32, %arg2: memref<10240x2048xf32, #tpu.memory_space<hbm>>, %arg3: memref<8192xi32, #tpu.memory_space<hbm>>, %arg4: memref<4096x2048xf32, #tpu.memory_space<hbm>>, %arg5: memref<256xi32, #tpu.memory_space<vmem>>, %arg6: memref<16x2048xf32, #tpu.memory_space<vmem>>, %arg7: memref<8x2048xf32, #tpu.memory_space<vmem>>, %arg8: memref<!tpu.dma_semaphore, #tpu.memory_space<semaphore_mem>>) attributes {dimension_semantics = [#tpu.dimension_semantics<core_parallel>, #tpu.dimension_semantics<subcore_parallel>], iteration_bounds = array<i64: 2, 16>, scalar_prefetch = 0 : i64, scratch_operands = 4 : i64, tpu.core_type = #tpu.core_type<sc_vector_subcore>, window_params = [{transform_indices = #map}, {transform_indices = #map1}, {transform_indices = #map}]} {
    %mul3A = arith.constant 2 : i32
    %mul3A_0 = arith.muli %arg1, %mul3A : i32
    %add3A = arith.addi %mul3A_0, %arg0 : i32
    %mul3A_1 = arith.constant 128 : i32
    %mul3A_2 = arith.muli %add3A, %mul3A_1 : i32
    %mul3A_3 = arith.constant 2 : i32
    %mul3A_4 = arith.muli %mul3A_2, %mul3A_3 : i32
    "tpu.region"() ({
      %run_scoped3A = tpu.sem_alloc : memref<!tpu.dma_semaphore, #tpu.memory_space<semaphore_mem>>
      %dma_start3A = tpu.memref_slice %arg3[%mul3A_4] : memref<8192xi32, #tpu.memory_space<hbm>> -> memref<256xi32, #tpu.memory_space<hbm>>
      %dma_start3A_9 = tpu.memref_slice %arg3[%mul3A_4] : memref<8192xi32, #tpu.memory_space<hbm>> -> memref<256xi32, #tpu.memory_space<hbm>>
      tpu.enqueue_dma source(%dma_start3A_9 : memref<256xi32, #tpu.memory_space<hbm>>) target(%arg5 : memref<256xi32, #tpu.memory_space<vmem>>) target_semaphore(%run_scoped3A : memref<!tpu.dma_semaphore, #tpu.memory_space<semaphore_mem>>)
      %dma_wait3A = tpu.memref_slice %arg3[%mul3A_4] : memref<8192xi32, #tpu.memory_space<hbm>> -> memref<256xi32, #tpu.memory_space<hbm>>
      %dma_wait3A_10 = tpu.memref_slice %arg3[%mul3A_4] : memref<8192xi32, #tpu.memory_space<hbm>> -> memref<256xi32, #tpu.memory_space<hbm>>
      tpu.wait_dma2 semaphore(%run_scoped3A : memref<!tpu.dma_semaphore, #tpu.memory_space<semaphore_mem>>) src(%dma_wait3A_10 : memref<256xi32, #tpu.memory_space<hbm>>) dst(%arg5 : memref<256xi32, #tpu.memory_space<vmem>>)
      tpu.yield
    }) : () -> ()
    %scan3A = arith.constant 0 : i32
    %scan3A_5 = arith.constant 16 : i32
    %scan3A_6 = arith.addi %scan3A, %scan3A_5 : i32
    %scan3A_7 = arith.constant 1 : i32
    scf.for %scan3A_9 = %scan3A to %scan3A_6 step %scan3A_7  : i32 {
      %mul3A_10 = arith.constant 8 : i32
      %mul3A_11 = arith.muli %scan3A_9, %mul3A_10 : i32
      %add3A_12 = arith.addi %mul3A_2, %mul3A_11 : i32
      %mul3A_13 = arith.constant 2 : i32
      %mul3A_14 = arith.muli %scan3A_9, %mul3A_13 : i32
      %mul3A_15 = arith.constant 8 : i32
      %mul3A_16 = arith.muli %mul3A_14, %mul3A_15 : i32
      %dma_start3A = tpu.memref_slice %arg5[%mul3A_16] : memref<256xi32, #tpu.memory_space<vmem>> -> memref<16xi32, #tpu.memory_space<vmem>>
      %dma_start3A_17 = arith.constant 0 : i32
      %dma_start3A_18 = arith.constant 0 : i32
      %dma_start3A_19 = tpu.memref_slice %arg2[%dma_start3A_17, %dma_start3A_18] : memref<10240x2048xf32, #tpu.memory_space<hbm>> -> memref<10240x2048xf32, #tpu.memory_space<hbm>>
      tpu.enqueue_indirect_dma source(%dma_start3A_19 : memref<10240x2048xf32, #tpu.memory_space<hbm>>) target(%arg6 : memref<16x2048xf32, #tpu.memory_space<vmem>>) offsets(%dma_start3A : memref<16xi32, #tpu.memory_space<vmem>>) semaphore(%arg8 : memref<!tpu.dma_semaphore, #tpu.memory_space<semaphore_mem>>)
      %mul3A_20 = arith.constant 2 : i32
      %mul3A_21 = arith.muli %scan3A_9, %mul3A_20 : i32
      %mul3A_22 = arith.constant 8 : i32
      %mul3A_23 = arith.muli %mul3A_21, %mul3A_22 : i32
      %dma_wait3A = tpu.memref_slice %arg5[%mul3A_23] : memref<256xi32, #tpu.memory_space<vmem>> -> memref<16xi32, #tpu.memory_space<vmem>>
      %dma_wait3A_24 = arith.constant 0 : i32
      %dma_wait3A_25 = arith.constant 0 : i32
      %dma_wait3A_26 = tpu.memref_slice %arg2[%dma_wait3A_24, %dma_wait3A_25] : memref<10240x2048xf32, #tpu.memory_space<hbm>> -> memref<10240x2048xf32, #tpu.memory_space<hbm>>
      tpu.wait_indirect_dma semaphore(%arg8 : memref<!tpu.dma_semaphore, #tpu.memory_space<semaphore_mem>>) src(%dma_wait3A_26 : memref<10240x2048xf32, #tpu.memory_space<hbm>>) dst(%arg6 : memref<16x2048xf32, #tpu.memory_space<vmem>>)
      %scan3A_27 = arith.constant 0 : i32
      %scan3A_28 = arith.constant 128 : i32
      %scan3A_29 = arith.addi %scan3A_27, %scan3A_28 : i32
      %scan3A_30 = arith.constant 1 : i32
      scf.for %scan3A_32 = %scan3A_27 to %scan3A_29 step %scan3A_30  : i32 {
        %mul3A_33 = arith.constant 16 : i32
        %mul3A_34 = arith.muli %scan3A_32, %mul3A_33 : i32
        %get3A = arith.constant 0 : i32
        %get3A_35 = arith.index_cast %get3A : i32 to index
        %get3A_36 = arith.index_cast %mul3A_34 : i32 to index
        %get3A_37 = tpu.vector_load %arg6[%get3A_35, %get3A_36] {strides = array<i32>} : memref<16x2048xf32, #tpu.memory_space<vmem>>, vector<1x16xf32>,
        %get3A_38 = vector.shape_cast %get3A_37 : vector<1x16xf32> to vector<16xf32>
        %get3A_39 = arith.constant 8 : i32
        %get3A_40 = arith.index_cast %get3A_39 : i32 to index
        %get3A_41 = arith.index_cast %mul3A_34 : i32 to index
        %get3A_42 = tpu.vector_load %arg6[%get3A_40, %get3A_41] {strides = array<i32>} : memref<16x2048xf32, #tpu.memory_space<vmem>>, vector<1x16xf32>,
        %get3A_43 = vector.shape_cast %get3A_42 : vector<1x16xf32> to vector<16xf32>
        %add3A_44 = arith.addf %get3A_38, %get3A_43 : vector<16xf32>
        %swap3A = arith.constant 0 : i32
        %swap3A_45 = arith.index_cast %swap3A : i32 to index
        %swap3A_46 = arith.index_cast %mul3A_34 : i32 to index
        %swap3A_47 = tpu.vector_load %arg7[%swap3A_45, %swap3A_46] {strides = array<i32>} : memref<8x2048xf32, #tpu.memory_space<vmem>>, vector<1x16xf32>,
        %swap3A_48 = vector.shape_cast %swap3A_47 : vector<1x16xf32> to vector<16xf32>
        %swap3A_49 = vector.shape_cast %add3A_44 : vector<16xf32> to vector<1x16xf32>
        tpu.vector_store %arg7[%swap3A_45, %swap3A_46], %swap3A_49 {strides = array<i32>} : memref<8x2048xf32, #tpu.memory_space<vmem>>, vector<1x16xf32>,
        %get3A_50 = arith.constant 1 : i32
        %get3A_51 = arith.index_cast %get3A_50 : i32 to index
        %get3A_52 = arith.index_cast %mul3A_34 : i32 to index
        %get3A_53 = tpu.vector_load %arg6[%get3A_51, %get3A_52] {strides = array<i32>} : memref<16x2048xf32, #tpu.memory_space<vmem>>, vector<1x16xf32>,
        %get3A_54 = vector.shape_cast %get3A_53 : vector<1x16xf32> to vector<16xf32>
        %get3A_55 = arith.constant 9 : i32
        %get3A_56 = arith.index_cast %get3A_55 : i32 to index
        %get3A_57 = arith.index_cast %mul3A_34 : i32 to index
        %get3A_58 = tpu.vector_load %arg6[%get3A_56, %get3A_57] {strides = array<i32>} : memref<16x2048xf32, #tpu.memory_space<vmem>>, vector<1x16xf32>,
        %get3A_59 = vector.shape_cast %get3A_58 : vector<1x16xf32> to vector<16xf32>
        %add3A_60 = arith.addf %get3A_54, %get3A_59 : vector<16xf32>
        %swap3A_61 = arith.constant 1 : i32
        %swap3A_62 = arith.index_cast %swap3A_61 : i32 to index
        %swap3A_63 = arith.index_cast %mul3A_34 : i32 to index
        %swap3A_64 = tpu.vector_load %arg7[%swap3A_62, %swap3A_63] {strides = array<i32>} : memref<8x2048xf32, #tpu.memory_space<vmem>>, vector<1x16xf32>,
        %swap3A_65 = vector.shape_cast %swap3A_64 : vector<1x16xf32> to vector<16xf32>
        %swap3A_66 = vector.shape_cast %add3A_60 : vector<16xf32> to vector<1x16xf32>
        tpu.vector_store %arg7[%swap3A_62, %swap3A_63], %swap3A_66 {strides = array<i32>} : memref<8x2048xf32, #tpu.memory_space<vmem>>, vector<1x16xf32>,
        %get3A_67 = arith.constant 2 : i32
        %get3A_68 = arith.index_cast %get3A_67 : i32 to index
        %get3A_69 = arith.index_cast %mul3A_34 : i32 to index
        %get3A_70 = tpu.vector_load %arg6[%get3A_68, %get3A_69] {strides = array<i32>} : memref<16x2048xf32, #tpu.memory_space<vmem>>, vector<1x16xf32>,
        %get3A_71 = vector.shape_cast %get3A_70 : vector<1x16xf32> to vector<16xf32>
        %get3A_72 = arith.constant 10 : i32
        %get3A_73 = arith.index_cast %get3A_72 : i32 to index
        %get3A_74 = arith.index_cast %mul3A_34 : i32 to index
        %get3A_75 = tpu.vector_load %arg6[%get3A_73, %get3A_74] {strides = array<i32>} : memref<16x2048xf32, #tpu.memory_space<vmem>>, vector<1x16xf32>,
        %get3A_76 = vector.shape_cast %get3A_75 : vector<1x16xf32> to vector<16xf32>
        %add3A_77 = arith.addf %get3A_71, %get3A_76 : vector<16xf32>
        %swap3A_78 = arith.constant 2 : i32
        %swap3A_79 = arith.index_cast %swap3A_78 : i32 to index
        %swap3A_80 = arith.index_cast %mul3A_34 : i32 to index
        %swap3A_81 = tpu.vector_load %arg7[%swap3A_79, %swap3A_80] {strides = array<i32>} : memref<8x2048xf32, #tpu.memory_space<vmem>>, vector<1x16xf32>,
        %swap3A_82 = vector.shape_cast %swap3A_81 : vector<1x16xf32> to vector<16xf32>
        %swap3A_83 = vector.shape_cast %add3A_77 : vector<16xf32> to vector<1x16xf32>
        tpu.vector_store %arg7[%swap3A_79, %swap3A_80], %swap3A_83 {strides = array<i32>} : memref<8x2048xf32, #tpu.memory_space<vmem>>, vector<1x16xf32>,
        %get3A_84 = arith.constant 3 : i32
        %get3A_85 = arith.index_cast %get3A_84 : i32 to index
        %get3A_86 = arith.index_cast %mul3A_34 : i32 to index
        %get3A_87 = tpu.vector_load %arg6[%get3A_85, %get3A_86] {strides = array<i32>} : memref<16x2048xf32, #tpu.memory_space<vmem>>, vector<1x16xf32>,
        %get3A_88 = vector.shape_cast %get3A_87 : vector<1x16xf32> to vector<16xf32>
        %get3A_89 = arith.constant 11 : i32
        %get3A_90 = arith.index_cast %get3A_89 : i32 to index
        %get3A_91 = arith.index_cast %mul3A_34 : i32 to index
        %get3A_92 = tpu.vector_load %arg6[%get3A_90, %get3A_91] {strides = array<i32>} : memref<16x2048xf32, #tpu.memory_space<vmem>>, vector<1x16xf32>,
        %get3A_93 = vector.shape_cast %get3A_92 : vector<1x16xf32> to vector<16xf32>
        %add3A_94 = arith.addf %get3A_88, %get3A_93 : vector<16xf32>
        %swap3A_95 = arith.constant 3 : i32
        %swap3A_96 = arith.index_cast %swap3A_95 : i32 to index
        %swap3A_97 = arith.index_cast %mul3A_34 : i32 to index
        %swap3A_98 = tpu.vector_load %arg7[%swap3A_96, %swap3A_97] {strides = array<i32>} : memref<8x2048xf32, #tpu.memory_space<vmem>>, vector<1x16xf32>,
        %swap3A_99 = vector.shape_cast %swap3A_98 : vector<1x16xf32> to vector<16xf32>
        %swap3A_100 = vector.shape_cast %add3A_94 : vector<16xf32> to vector<1x16xf32>
        tpu.vector_store %arg7[%swap3A_96, %swap3A_97], %swap3A_100 {strides = array<i32>} : memref<8x2048xf32, #tpu.memory_space<vmem>>, vector<1x16xf32>,
        %get3A_101 = arith.constant 4 : i32
        %get3A_102 = arith.index_cast %get3A_101 : i32 to index
        %get3A_103 = arith.index_cast %mul3A_34 : i32 to index
        %get3A_104 = tpu.vector_load %arg6[%get3A_102, %get3A_103] {strides = array<i32>} : memref<16x2048xf32, #tpu.memory_space<vmem>>, vector<1x16xf32>,
        %get3A_105 = vector.shape_cast %get3A_104 : vector<1x16xf32> to vector<16xf32>
        %get3A_106 = arith.constant 12 : i32
        %get3A_107 = arith.index_cast %get3A_106 : i32 to index
        %get3A_108 = arith.index_cast %mul3A_34 : i32 to index
        %get3A_109 = tpu.vector_load %arg6[%get3A_107, %get3A_108] {strides = array<i32>} : memref<16x2048xf32, #tpu.memory_space<vmem>>, vector<1x16xf32>,
        %get3A_110 = vector.shape_cast %get3A_109 : vector<1x16xf32> to vector<16xf32>
        %add3A_111 = arith.addf %get3A_105, %get3A_110 : vector<16xf32>
        %swap3A_112 = arith.constant 4 : i32
        %swap3A_113 = arith.index_cast %swap3A_112 : i32 to index
        %swap3A_114 = arith.index_cast %mul3A_34 : i32 to index
        %swap3A_115 = tpu.vector_load %arg7[%swap3A_113, %swap3A_114] {strides = array<i32>} : memref<8x2048xf32, #tpu.memory_space<vmem>>, vector<1x16xf32>,
        %swap3A_116 = vector.shape_cast %swap3A_115 : vector<1x16xf32> to vector<16xf32>
        %swap3A_117 = vector.shape_cast %add3A_111 : vector<16xf32> to vector<1x16xf32>
        tpu.vector_store %arg7[%swap3A_113, %swap3A_114], %swap3A_117 {strides = array<i32>} : memref<8x2048xf32, #tpu.memory_space<vmem>>, vector<1x16xf32>,
        %get3A_118 = arith.constant 5 : i32
        %get3A_119 = arith.index_cast %get3A_118 : i32 to index
        %get3A_120 = arith.index_cast %mul3A_34 : i32 to index
        %get3A_121 = tpu.vector_load %arg6[%get3A_119, %get3A_120] {strides = array<i32>} : memref<16x2048xf32, #tpu.memory_space<vmem>>, vector<1x16xf32>,
        %get3A_122 = vector.shape_cast %get3A_121 : vector<1x16xf32> to vector<16xf32>
        %get3A_123 = arith.constant 13 : i32
        %get3A_124 = arith.index_cast %get3A_123 : i32 to index
        %get3A_125 = arith.index_cast %mul3A_34 : i32 to index
        %get3A_126 = tpu.vector_load %arg6[%get3A_124, %get3A_125] {strides = array<i32>} : memref<16x2048xf32, #tpu.memory_space<vmem>>, vector<1x16xf32>,
        %get3A_127 = vector.shape_cast %get3A_126 : vector<1x16xf32> to vector<16xf32>
        %add3A_128 = arith.addf %get3A_122, %get3A_127 : vector<16xf32>
        %swap3A_129 = arith.constant 5 : i32
        %swap3A_130 = arith.index_cast %swap3A_129 : i32 to index
        %swap3A_131 = arith.index_cast %mul3A_34 : i32 to index
        %swap3A_132 = tpu.vector_load %arg7[%swap3A_130, %swap3A_131] {strides = array<i32>} : memref<8x2048xf32, #tpu.memory_space<vmem>>, vector<1x16xf32>,
        %swap3A_133 = vector.shape_cast %swap3A_132 : vector<1x16xf32> to vector<16xf32>
        %swap3A_134 = vector.shape_cast %add3A_128 : vector<16xf32> to vector<1x16xf32>
        tpu.vector_store %arg7[%swap3A_130, %swap3A_131], %swap3A_134 {strides = array<i32>} : memref<8x2048xf32, #tpu.memory_space<vmem>>, vector<1x16xf32>,
        %get3A_135 = arith.constant 6 : i32
        %get3A_136 = arith.index_cast %get3A_135 : i32 to index
        %get3A_137 = arith.index_cast %mul3A_34 : i32 to index
        %get3A_138 = tpu.vector_load %arg6[%get3A_136, %get3A_137] {strides = array<i32>} : memref<16x2048xf32, #tpu.memory_space<vmem>>, vector<1x16xf32>,
        %get3A_139 = vector.shape_cast %get3A_138 : vector<1x16xf32> to vector<16xf32>
        %get3A_140 = arith.constant 14 : i32
        %get3A_141 = arith.index_cast %get3A_140 : i32 to index
        %get3A_142 = arith.index_cast %mul3A_34 : i32 to index
        %get3A_143 = tpu.vector_load %arg6[%get3A_141, %get3A_142] {strides = array<i32>} : memref<16x2048xf32, #tpu.memory_space<vmem>>, vector<1x16xf32>,
        %get3A_144 = vector.shape_cast %get3A_143 : vector<1x16xf32> to vector<16xf32>
        %add3A_145 = arith.addf %get3A_139, %get3A_144 : vector<16xf32>
        %swap3A_146 = arith.constant 6 : i32
        %swap3A_147 = arith.index_cast %swap3A_146 : i32 to index
        %swap3A_148 = arith.index_cast %mul3A_34 : i32 to index
        %swap3A_149 = tpu.vector_load %arg7[%swap3A_147, %swap3A_148] {strides = array<i32>} : memref<8x2048xf32, #tpu.memory_space<vmem>>, vector<1x16xf32>,
        %swap3A_150 = vector.shape_cast %swap3A_149 : vector<1x16xf32> to vector<16xf32>
        %swap3A_151 = vector.shape_cast %add3A_145 : vector<16xf32> to vector<1x16xf32>
        tpu.vector_store %arg7[%swap3A_147, %swap3A_148], %swap3A_151 {strides = array<i32>} : memref<8x2048xf32, #tpu.memory_space<vmem>>, vector<1x16xf32>,
        %get3A_152 = arith.constant 7 : i32
        %get3A_153 = arith.index_cast %get3A_152 : i32 to index
        %get3A_154 = arith.index_cast %mul3A_34 : i32 to index
        %get3A_155 = tpu.vector_load %arg6[%get3A_153, %get3A_154] {strides = array<i32>} : memref<16x2048xf32, #tpu.memory_space<vmem>>, vector<1x16xf32>,
        %get3A_156 = vector.shape_cast %get3A_155 : vector<1x16xf32> to vector<16xf32>
        %get3A_157 = arith.constant 15 : i32
        %get3A_158 = arith.index_cast %get3A_157 : i32 to index
        %get3A_159 = arith.index_cast %mul3A_34 : i32 to index
        %get3A_160 = tpu.vector_load %arg6[%get3A_158, %get3A_159] {strides = array<i32>} : memref<16x2048xf32, #tpu.memory_space<vmem>>, vector<1x16xf32>,
        %get3A_161 = vector.shape_cast %get3A_160 : vector<1x16xf32> to vector<16xf32>
        %add3A_162 = arith.addf %get3A_156, %get3A_161 : vector<16xf32>
        %swap3A_163 = arith.constant 7 : i32
        %swap3A_164 = arith.index_cast %swap3A_163 : i32 to index
        %swap3A_165 = arith.index_cast %mul3A_34 : i32 to index
        %swap3A_166 = tpu.vector_load %arg7[%swap3A_164, %swap3A_165] {strides = array<i32>} : memref<8x2048xf32, #tpu.memory_space<vmem>>, vector<1x16xf32>,
        %swap3A_167 = vector.shape_cast %swap3A_166 : vector<1x16xf32> to vector<16xf32>
        %swap3A_168 = vector.shape_cast %add3A_162 : vector<16xf32> to vector<1x16xf32>
        tpu.vector_store %arg7[%swap3A_164, %swap3A_165], %swap3A_168 {strides = array<i32>} : memref<8x2048xf32, #tpu.memory_space<vmem>>, vector<1x16xf32>,
      }
      %scan3A_31 = arith.constant 128 : i32
      "tpu.region"() ({
        %run_scoped3A = tpu.sem_alloc : memref<!tpu.dma_semaphore, #tpu.memory_space<semaphore_mem>>
        %dma_start3A_32 = arith.constant 0 : i32
        %dma_start3A_33 = tpu.memref_slice %arg4[%add3A_12, %dma_start3A_32] : memref<4096x2048xf32, #tpu.memory_space<hbm>> -> memref<8x2048xf32, #tpu.memory_space<hbm>>
        %dma_start3A_34 = arith.constant 0 : i32
        %dma_start3A_35 = tpu.memref_slice %arg4[%add3A_12, %dma_start3A_34] : memref<4096x2048xf32, #tpu.memory_space<hbm>> -> memref<8x2048xf32, #tpu.memory_space<hbm>>
        tpu.enqueue_dma source(%arg7 : memref<8x2048xf32, #tpu.memory_space<vmem>>) target(%dma_start3A_35 : memref<8x2048xf32, #tpu.memory_space<hbm>>) target_semaphore(%run_scoped3A : memref<!tpu.dma_semaphore, #tpu.memory_space<semaphore_mem>>)
        %dma_wait3A_36 = arith.constant 0 : i32
        %dma_wait3A_37 = tpu.memref_slice %arg4[%add3A_12, %dma_wait3A_36] : memref<4096x2048xf32, #tpu.memory_space<hbm>> -> memref<8x2048xf32, #tpu.memory_space<hbm>>
        %dma_wait3A_38 = arith.constant 0 : i32
        %dma_wait3A_39 = tpu.memref_slice %arg4[%add3A_12, %dma_wait3A_38] : memref<4096x2048xf32, #tpu.memory_space<hbm>> -> memref<8x2048xf32, #tpu.memory_space<hbm>>
        tpu.wait_dma2 semaphore(%run_scoped3A : memref<!tpu.dma_semaphore, #tpu.memory_space<semaphore_mem>>) src(%arg7 : memref<8x2048xf32, #tpu.memory_space<vmem>>) dst(%dma_wait3A_39 : memref<8x2048xf32, #tpu.memory_space<hbm>>)
        tpu.yield
      }) : () -> ()
    }
    %scan3A_8 = arith.constant 16 : i32
    return
  }
}

module attributes {stable_mosaic.version = 14 : i64} {
  func.func @_mm_body(%arg0: i32, %arg1: memref<10240xi32, #tpu.memory_space<smem>>, %arg2: memref<40xi32, #tpu.memory_space<smem>>, %arg3: memref<8192x4096xf32, #tpu.memory_space<any>>, %arg4: memref<8x4096x2048xf32, #tpu.memory_space<any>>, %arg5: memref<1x1x256xf32, #tpu.memory_space<vmem>>, %arg6: memref<256x2048xf32, #tpu.memory_space<vmem>>, %arg7: memref<2x256x4096xf32, #tpu.memory_space<vmem>>, %arg8: memref<4096x2048xf32, #tpu.memory_space<vmem>>, %arg9: memref<4096x2048xbf16, #tpu.memory_space<vmem>>, %arg10: memref<2x!tpu.dma_semaphore, #tpu.memory_space<semaphore_mem>>, %arg11: memref<!tpu.dma_semaphore, #tpu.memory_space<semaphore_mem>>) attributes {dimension_semantics = [#tpu.dimension_semantics<arbitrary>], iteration_bounds = array<i64: 40>, scalar_prefetch = 2 : i64, scratch_operands = 5 : i64, tpu.core_type = #tpu.core_type<tc>, window_params = [{}, {}, {transform_indices = @transform_2, window_bounds = array<i64: 1, 1, 256>}, {transform_indices = @transform_3, window_bounds = array<i64: 256, 2048>}]} {
    %eq3A = arith.constant 0 : i32
    %eq3A_0 = arith.cmpi eq, %arg0, %eq3A : i32
    %get3A = arith.index_cast %arg0 : i32 to index
    %get3A_1 = memref.load %arg2[%get3A] : memref<40xi32, #tpu.memory_space<smem>>
    %sub3A = arith.constant 1 : i32
    %sub3A_2 = arith.subi %arg0, %sub3A : i32
    %max3A = arith.constant 0 : i32
    %max3A_3 = arith.maxsi %sub3A_2, %max3A : i32
    %get3A_4 = arith.index_cast %max3A_3 : i32 to index
    %get3A_5 = memref.load %arg2[%get3A_4] : memref<40xi32, #tpu.memory_space<smem>>
    %ne3A = arith.cmpi ne, %get3A_1, %get3A_5 : i32
    %jit3A = arith.constant true
    %select_n3A = arith.select %eq3A_0, %jit3A, %ne3A : i1
    %convert_element_type3A = arith.extui %select_n3A : i1 to i32
    %cond3A = arith.constant 0 : i32
    %cond3A_6 = arith.cmpi ne, %convert_element_type3A, %cond3A : i32
    scf.if %cond3A_6 {
      %get3A_84 = arith.index_cast %arg0 : i32 to index
      %get3A_85 = memref.load %arg2[%get3A_84] : memref<40xi32, #tpu.memory_space<smem>>
      %dma_start3A = arith.constant 0 : i32
      %dma_start3A_86 = arith.constant 0 : i32
      %dma_start3A_87 = tpu.memref_slice %arg4[%get3A_85, %dma_start3A, %dma_start3A_86] : memref<8x4096x2048xf32, #tpu.memory_space<any>> -> memref<1x4096x2048xf32, #tpu.memory_space<any>>
      %dma_start3A_88 = tpu.memref_squeeze %dma_start3A_87 : memref<1x4096x2048xf32, #tpu.memory_space<any>> -> memref<4096x2048xf32, #tpu.memory_space<any>>
      tpu.enqueue_dma source(%dma_start3A_88 : memref<4096x2048xf32, #tpu.memory_space<any>>) target(%arg8 : memref<4096x2048xf32, #tpu.memory_space<vmem>>) target_semaphore(%arg11 : memref<!tpu.dma_semaphore, #tpu.memory_space<semaphore_mem>>)
    } else {
    }
    %eq3A_7 = arith.constant 0 : i32
    %eq3A_8 = arith.cmpi eq, %arg0, %eq3A_7 : i32
    %convert_element_type3A_9 = arith.extui %eq3A_8 : i1 to i32
    %cond3A_10 = arith.constant 0 : i32
    %cond3A_11 = arith.cmpi ne, %convert_element_type3A_9, %cond3A_10 : i32
    scf.if %cond3A_11 {
      %scan3A = arith.constant 0 : i32
      %scan3A_84 = arith.constant 32 : i32
      %scan3A_85 = arith.addi %scan3A, %scan3A_84 : i32
      %scan3A_86 = arith.constant 1 : i32
      scf.for %scan3A_88 = %scan3A to %scan3A_85 step %scan3A_86  : i32 {
        %mul3A = arith.constant 8 : i32
        %mul3A_89 = arith.muli %scan3A_88, %mul3A : i32
        %add3A_90 = arith.constant 0 : i32
        %add3A_91 = arith.addi %mul3A_89, %add3A_90 : i32
        %add3A_92 = arith.constant 0 : i32
        %add3A_93 = arith.addi %add3A_92, %add3A_91 : i32
        %get3A_94 = arith.index_cast %add3A_93 : i32 to index
        %get3A_95 = memref.load %arg1[%get3A_94] : memref<10240xi32, #tpu.memory_space<smem>>
        %max3A_96 = arith.constant 0 : i32
        %max3A_97 = arith.maxsi %get3A_95, %max3A_96 : i32
        %dma_start3A = arith.constant 0 : i32
        %dma_start3A_98 = arith.constant 0 : i32
        %dma_start3A_99 = tpu.memref_slice %arg10[%dma_start3A_98] : memref<2x!tpu.dma_semaphore, #tpu.memory_space<semaphore_mem>> -> memref<1x!tpu.dma_semaphore, #tpu.memory_space<semaphore_mem>>
        %dma_start3A_100 = tpu.memref_squeeze %dma_start3A_99 : memref<1x!tpu.dma_semaphore, #tpu.memory_space<semaphore_mem>> -> memref<!tpu.dma_semaphore, #tpu.memory_space<semaphore_mem>>
        %dma_start3A_101 = arith.constant 0 : i32
        %dma_start3A_102 = tpu.memref_slice %arg7[%dma_start3A, %add3A_91, %dma_start3A_101] : memref<2x256x4096xf32, #tpu.memory_space<vmem>> -> memref<1x1x4096xf32, #tpu.memory_space<vmem>>
        %dma_start3A_103 = tpu.memref_squeeze %dma_start3A_102 : memref<1x1x4096xf32, #tpu.memory_space<vmem>> -> memref<1x4096xf32, #tpu.memory_space<vmem>>
        %dma_start3A_104 = arith.constant 0 : i32
        %dma_start3A_105 = tpu.memref_slice %arg3[%max3A_97, %dma_start3A_104] : memref<8192x4096xf32, #tpu.memory_space<any>> -> memref<1x4096xf32, #tpu.memory_space<any>>
        tpu.enqueue_dma source(%dma_start3A_105 : memref<1x4096xf32, #tpu.memory_space<any>>) target(%dma_start3A_103 : memref<1x4096xf32, #tpu.memory_space<vmem>>) target_semaphore(%dma_start3A_100 : memref<!tpu.dma_semaphore, #tpu.memory_space<semaphore_mem>>)
        %mul3A_106 = arith.constant 8 : i32
        %mul3A_107 = arith.muli %scan3A_88, %mul3A_106 : i32
        %add3A_108 = arith.constant 1 : i32
        %add3A_109 = arith.addi %mul3A_107, %add3A_108 : i32
        %add3A_110 = arith.constant 0 : i32
        %add3A_111 = arith.addi %add3A_110, %add3A_109 : i32
        %get3A_112 = arith.index_cast %add3A_111 : i32 to index
        %get3A_113 = memref.load %arg1[%get3A_112] : memref<10240xi32, #tpu.memory_space<smem>>
        %max3A_114 = arith.constant 0 : i32
        %max3A_115 = arith.maxsi %get3A_113, %max3A_114 : i32
        %dma_start3A_116 = arith.constant 0 : i32
        %dma_start3A_117 = arith.constant 0 : i32
        %dma_start3A_118 = tpu.memref_slice %arg10[%dma_start3A_117] : memref<2x!tpu.dma_semaphore, #tpu.memory_space<semaphore_mem>> -> memref<1x!tpu.dma_semaphore, #tpu.memory_space<semaphore_mem>>
        %dma_start3A_119 = tpu.memref_squeeze %dma_start3A_118 : memref<1x!tpu.dma_semaphore, #tpu.memory_space<semaphore_mem>> -> memref<!tpu.dma_semaphore, #tpu.memory_space<semaphore_mem>>
        %dma_start3A_120 = arith.constant 0 : i32
        %dma_start3A_121 = tpu.memref_slice %arg7[%dma_start3A_116, %add3A_109, %dma_start3A_120] : memref<2x256x4096xf32, #tpu.memory_space<vmem>> -> memref<1x1x4096xf32, #tpu.memory_space<vmem>>
        %dma_start3A_122 = tpu.memref_squeeze %dma_start3A_121 : memref<1x1x4096xf32, #tpu.memory_space<vmem>> -> memref<1x4096xf32, #tpu.memory_space<vmem>>
        %dma_start3A_123 = arith.constant 0 : i32
        %dma_start3A_124 = tpu.memref_slice %arg3[%max3A_115, %dma_start3A_123] : memref<8192x4096xf32, #tpu.memory_space<any>> -> memref<1x4096xf32, #tpu.memory_space<any>>
        tpu.enqueue_dma source(%dma_start3A_124 : memref<1x4096xf32, #tpu.memory_space<any>>) target(%dma_start3A_122 : memref<1x4096xf32, #tpu.memory_space<vmem>>) target_semaphore(%dma_start3A_119 : memref<!tpu.dma_semaphore, #tpu.memory_space<semaphore_mem>>)
        %mul3A_125 = arith.constant 8 : i32
        %mul3A_126 = arith.muli %scan3A_88, %mul3A_125 : i32
        %add3A_127 = arith.constant 2 : i32
        %add3A_128 = arith.addi %mul3A_126, %add3A_127 : i32
        %add3A_129 = arith.constant 0 : i32
        %add3A_130 = arith.addi %add3A_129, %add3A_128 : i32
        %get3A_131 = arith.index_cast %add3A_130 : i32 to index
        %get3A_132 = memref.load %arg1[%get3A_131] : memref<10240xi32, #tpu.memory_space<smem>>
        %max3A_133 = arith.constant 0 : i32
        %max3A_134 = arith.maxsi %get3A_132, %max3A_133 : i32
        %dma_start3A_135 = arith.constant 0 : i32
        %dma_start3A_136 = arith.constant 0 : i32
        %dma_start3A_137 = tpu.memref_slice %arg10[%dma_start3A_136] : memref<2x!tpu.dma_semaphore, #tpu.memory_space<semaphore_mem>> -> memref<1x!tpu.dma_semaphore, #tpu.memory_space<semaphore_mem>>
        %dma_start3A_138 = tpu.memref_squeeze %dma_start3A_137 : memref<1x!tpu.dma_semaphore, #tpu.memory_space<semaphore_mem>> -> memref<!tpu.dma_semaphore, #tpu.memory_space<semaphore_mem>>
        %dma_start3A_139 = arith.constant 0 : i32
        %dma_start3A_140 = tpu.memref_slice %arg7[%dma_start3A_135, %add3A_128, %dma_start3A_139] : memref<2x256x4096xf32, #tpu.memory_space<vmem>> -> memref<1x1x4096xf32, #tpu.memory_space<vmem>>
        %dma_start3A_141 = tpu.memref_squeeze %dma_start3A_140 : memref<1x1x4096xf32, #tpu.memory_space<vmem>> -> memref<1x4096xf32, #tpu.memory_space<vmem>>
        %dma_start3A_142 = arith.constant 0 : i32
        %dma_start3A_143 = tpu.memref_slice %arg3[%max3A_134, %dma_start3A_142] : memref<8192x4096xf32, #tpu.memory_space<any>> -> memref<1x4096xf32, #tpu.memory_space<any>>
        tpu.enqueue_dma source(%dma_start3A_143 : memref<1x4096xf32, #tpu.memory_space<any>>) target(%dma_start3A_141 : memref<1x4096xf32, #tpu.memory_space<vmem>>) target_semaphore(%dma_start3A_138 : memref<!tpu.dma_semaphore, #tpu.memory_space<semaphore_mem>>)
        %mul3A_144 = arith.constant 8 : i32
        %mul3A_145 = arith.muli %scan3A_88, %mul3A_144 : i32
        %add3A_146 = arith.constant 3 : i32
        %add3A_147 = arith.addi %mul3A_145, %add3A_146 : i32
        %add3A_148 = arith.constant 0 : i32
        %add3A_149 = arith.addi %add3A_148, %add3A_147 : i32
        %get3A_150 = arith.index_cast %add3A_149 : i32 to index
        %get3A_151 = memref.load %arg1[%get3A_150] : memref<10240xi32, #tpu.memory_space<smem>>
        %max3A_152 = arith.constant 0 : i32
        %max3A_153 = arith.maxsi %get3A_151, %max3A_152 : i32
        %dma_start3A_154 = arith.constant 0 : i32
        %dma_start3A_155 = arith.constant 0 : i32
        %dma_start3A_156 = tpu.memref_slice %arg10[%dma_start3A_155] : memref<2x!tpu.dma_semaphore, #tpu.memory_space<semaphore_mem>> -> memref<1x!tpu.dma_semaphore, #tpu.memory_space<semaphore_mem>>
        %dma_start3A_157 = tpu.memref_squeeze %dma_start3A_156 : memref<1x!tpu.dma_semaphore, #tpu.memory_space<semaphore_mem>> -> memref<!tpu.dma_semaphore, #tpu.memory_space<semaphore_mem>>
        %dma_start3A_158 = arith.constant 0 : i32
        %dma_start3A_159 = tpu.memref_slice %arg7[%dma_start3A_154, %add3A_147, %dma_start3A_158] : memref<2x256x4096xf32, #tpu.memory_space<vmem>> -> memref<1x1x4096xf32, #tpu.memory_space<vmem>>
        %dma_start3A_160 = tpu.memref_squeeze %dma_start3A_159 : memref<1x1x4096xf32, #tpu.memory_space<vmem>> -> memref<1x4096xf32, #tpu.memory_space<vmem>>
        %dma_start3A_161 = arith.constant 0 : i32
        %dma_start3A_162 = tpu.memref_slice %arg3[%max3A_153, %dma_start3A_161] : memref<8192x4096xf32, #tpu.memory_space<any>> -> memref<1x4096xf32, #tpu.memory_space<any>>
        tpu.enqueue_dma source(%dma_start3A_162 : memref<1x4096xf32, #tpu.memory_space<any>>) target(%dma_start3A_160 : memref<1x4096xf32, #tpu.memory_space<vmem>>) target_semaphore(%dma_start3A_157 : memref<!tpu.dma_semaphore, #tpu.memory_space<semaphore_mem>>)
        %mul3A_163 = arith.constant 8 : i32
        %mul3A_164 = arith.muli %scan3A_88, %mul3A_163 : i32
        %add3A_165 = arith.constant 4 : i32
        %add3A_166 = arith.addi %mul3A_164, %add3A_165 : i32
        %add3A_167 = arith.constant 0 : i32
        %add3A_168 = arith.addi %add3A_167, %add3A_166 : i32
        %get3A_169 = arith.index_cast %add3A_168 : i32 to index
        %get3A_170 = memref.load %arg1[%get3A_169] : memref<10240xi32, #tpu.memory_space<smem>>
        %max3A_171 = arith.constant 0 : i32
        %max3A_172 = arith.maxsi %get3A_170, %max3A_171 : i32
        %dma_start3A_173 = arith.constant 0 : i32
        %dma_start3A_174 = arith.constant 0 : i32
        %dma_start3A_175 = tpu.memref_slice %arg10[%dma_start3A_174] : memref<2x!tpu.dma_semaphore, #tpu.memory_space<semaphore_mem>> -> memref<1x!tpu.dma_semaphore, #tpu.memory_space<semaphore_mem>>
        %dma_start3A_176 = tpu.memref_squeeze %dma_start3A_175 : memref<1x!tpu.dma_semaphore, #tpu.memory_space<semaphore_mem>> -> memref<!tpu.dma_semaphore, #tpu.memory_space<semaphore_mem>>
        %dma_start3A_177 = arith.constant 0 : i32
        %dma_start3A_178 = tpu.memref_slice %arg7[%dma_start3A_173, %add3A_166, %dma_start3A_177] : memref<2x256x4096xf32, #tpu.memory_space<vmem>> -> memref<1x1x4096xf32, #tpu.memory_space<vmem>>
        %dma_start3A_179 = tpu.memref_squeeze %dma_start3A_178 : memref<1x1x4096xf32, #tpu.memory_space<vmem>> -> memref<1x4096xf32, #tpu.memory_space<vmem>>
        %dma_start3A_180 = arith.constant 0 : i32
        %dma_start3A_181 = tpu.memref_slice %arg3[%max3A_172, %dma_start3A_180] : memref<8192x4096xf32, #tpu.memory_space<any>> -> memref<1x4096xf32, #tpu.memory_space<any>>
        tpu.enqueue_dma source(%dma_start3A_181 : memref<1x4096xf32, #tpu.memory_space<any>>) target(%dma_start3A_179 : memref<1x4096xf32, #tpu.memory_space<vmem>>) target_semaphore(%dma_start3A_176 : memref<!tpu.dma_semaphore, #tpu.memory_space<semaphore_mem>>)
        %mul3A_182 = arith.constant 8 : i32
        %mul3A_183 = arith.muli %scan3A_88, %mul3A_182 : i32
        %add3A_184 = arith.constant 5 : i32
        %add3A_185 = arith.addi %mul3A_183, %add3A_184 : i32
        %add3A_186 = arith.constant 0 : i32
        %add3A_187 = arith.addi %add3A_186, %add3A_185 : i32
        %get3A_188 = arith.index_cast %add3A_187 : i32 to index
        %get3A_189 = memref.load %arg1[%get3A_188] : memref<10240xi32, #tpu.memory_space<smem>>
        %max3A_190 = arith.constant 0 : i32
        %max3A_191 = arith.maxsi %get3A_189, %max3A_190 : i32
        %dma_start3A_192 = arith.constant 0 : i32
        %dma_start3A_193 = arith.constant 0 : i32
        %dma_start3A_194 = tpu.memref_slice %arg10[%dma_start3A_193] : memref<2x!tpu.dma_semaphore, #tpu.memory_space<semaphore_mem>> -> memref<1x!tpu.dma_semaphore, #tpu.memory_space<semaphore_mem>>
        %dma_start3A_195 = tpu.memref_squeeze %dma_start3A_194 : memref<1x!tpu.dma_semaphore, #tpu.memory_space<semaphore_mem>> -> memref<!tpu.dma_semaphore, #tpu.memory_space<semaphore_mem>>
        %dma_start3A_196 = arith.constant 0 : i32
        %dma_start3A_197 = tpu.memref_slice %arg7[%dma_start3A_192, %add3A_185, %dma_start3A_196] : memref<2x256x4096xf32, #tpu.memory_space<vmem>> -> memref<1x1x4096xf32, #tpu.memory_space<vmem>>
        %dma_start3A_198 = tpu.memref_squeeze %dma_start3A_197 : memref<1x1x4096xf32, #tpu.memory_space<vmem>> -> memref<1x4096xf32, #tpu.memory_space<vmem>>
        %dma_start3A_199 = arith.constant 0 : i32
        %dma_start3A_200 = tpu.memref_slice %arg3[%max3A_191, %dma_start3A_199] : memref<8192x4096xf32, #tpu.memory_space<any>> -> memref<1x4096xf32, #tpu.memory_space<any>>
        tpu.enqueue_dma source(%dma_start3A_200 : memref<1x4096xf32, #tpu.memory_space<any>>) target(%dma_start3A_198 : memref<1x4096xf32, #tpu.memory_space<vmem>>) target_semaphore(%dma_start3A_195 : memref<!tpu.dma_semaphore, #tpu.memory_space<semaphore_mem>>)
        %mul3A_201 = arith.constant 8 : i32
        %mul3A_202 = arith.muli %scan3A_88, %mul3A_201 : i32
        %add3A_203 = arith.constant 6 : i32
        %add3A_204 = arith.addi %mul3A_202, %add3A_203 : i32
        %add3A_205 = arith.constant 0 : i32
        %add3A_206 = arith.addi %add3A_205, %add3A_204 : i32
        %get3A_207 = arith.index_cast %add3A_206 : i32 to index
        %get3A_208 = memref.load %arg1[%get3A_207] : memref<10240xi32, #tpu.memory_space<smem>>
        %max3A_209 = arith.constant 0 : i32
        %max3A_210 = arith.maxsi %get3A_208, %max3A_209 : i32
        %dma_start3A_211 = arith.constant 0 : i32
        %dma_start3A_212 = arith.constant 0 : i32
        %dma_start3A_213 = tpu.memref_slice %arg10[%dma_start3A_212] : memref<2x!tpu.dma_semaphore, #tpu.memory_space<semaphore_mem>> -> memref<1x!tpu.dma_semaphore, #tpu.memory_space<semaphore_mem>>
        %dma_start3A_214 = tpu.memref_squeeze %dma_start3A_213 : memref<1x!tpu.dma_semaphore, #tpu.memory_space<semaphore_mem>> -> memref<!tpu.dma_semaphore, #tpu.memory_space<semaphore_mem>>
        %dma_start3A_215 = arith.constant 0 : i32
        %dma_start3A_216 = tpu.memref_slice %arg7[%dma_start3A_211, %add3A_204, %dma_start3A_215] : memref<2x256x4096xf32, #tpu.memory_space<vmem>> -> memref<1x1x4096xf32, #tpu.memory_space<vmem>>
        %dma_start3A_217 = tpu.memref_squeeze %dma_start3A_216 : memref<1x1x4096xf32, #tpu.memory_space<vmem>> -> memref<1x4096xf32, #tpu.memory_space<vmem>>
        %dma_start3A_218 = arith.constant 0 : i32
        %dma_start3A_219 = tpu.memref_slice %arg3[%max3A_210, %dma_start3A_218] : memref<8192x4096xf32, #tpu.memory_space<any>> -> memref<1x4096xf32, #tpu.memory_space<any>>
        tpu.enqueue_dma source(%dma_start3A_219 : memref<1x4096xf32, #tpu.memory_space<any>>) target(%dma_start3A_217 : memref<1x4096xf32, #tpu.memory_space<vmem>>) target_semaphore(%dma_start3A_214 : memref<!tpu.dma_semaphore, #tpu.memory_space<semaphore_mem>>)
        %mul3A_220 = arith.constant 8 : i32
        %mul3A_221 = arith.muli %scan3A_88, %mul3A_220 : i32
        %add3A_222 = arith.constant 7 : i32
        %add3A_223 = arith.addi %mul3A_221, %add3A_222 : i32
        %add3A_224 = arith.constant 0 : i32
        %add3A_225 = arith.addi %add3A_224, %add3A_223 : i32
        %get3A_226 = arith.index_cast %add3A_225 : i32 to index
        %get3A_227 = memref.load %arg1[%get3A_226] : memref<10240xi32, #tpu.memory_space<smem>>
        %max3A_228 = arith.constant 0 : i32
        %max3A_229 = arith.maxsi %get3A_227, %max3A_228 : i32
        %dma_start3A_230 = arith.constant 0 : i32
        %dma_start3A_231 = arith.constant 0 : i32
        %dma_start3A_232 = tpu.memref_slice %arg10[%dma_start3A_231] : memref<2x!tpu.dma_semaphore, #tpu.memory_space<semaphore_mem>> -> memref<1x!tpu.dma_semaphore, #tpu.memory_space<semaphore_mem>>
        %dma_start3A_233 = tpu.memref_squeeze %dma_start3A_232 : memref<1x!tpu.dma_semaphore, #tpu.memory_space<semaphore_mem>> -> memref<!tpu.dma_semaphore, #tpu.memory_space<semaphore_mem>>
        %dma_start3A_234 = arith.constant 0 : i32
        %dma_start3A_235 = tpu.memref_slice %arg7[%dma_start3A_230, %add3A_223, %dma_start3A_234] : memref<2x256x4096xf32, #tpu.memory_space<vmem>> -> memref<1x1x4096xf32, #tpu.memory_space<vmem>>
        %dma_start3A_236 = tpu.memref_squeeze %dma_start3A_235 : memref<1x1x4096xf32, #tpu.memory_space<vmem>> -> memref<1x4096xf32, #tpu.memory_space<vmem>>
        %dma_start3A_237 = arith.constant 0 : i32
        %dma_start3A_238 = tpu.memref_slice %arg3[%max3A_229, %dma_start3A_237] : memref<8192x4096xf32, #tpu.memory_space<any>> -> memref<1x4096xf32, #tpu.memory_space<any>>
        tpu.enqueue_dma source(%dma_start3A_238 : memref<1x4096xf32, #tpu.memory_space<any>>) target(%dma_start3A_236 : memref<1x4096xf32, #tpu.memory_space<vmem>>) target_semaphore(%dma_start3A_233 : memref<!tpu.dma_semaphore, #tpu.memory_space<semaphore_mem>>)
      }
      %scan3A_87 = arith.constant 32 : i32
    } else {
    }
    %add3A = arith.constant 1 : i32
    %add3A_12 = arith.addi %arg0, %add3A : i32
    %lt3A = arith.constant 40 : i32
    %lt3A_13 = arith.cmpi slt, %add3A_12, %lt3A : i32
    %convert_element_type3A_14 = arith.extui %lt3A_13 : i1 to i32
    %cond3A_15 = arith.constant 0 : i32
    %cond3A_16 = arith.cmpi ne, %convert_element_type3A_14, %cond3A_15 : i32
    scf.if %cond3A_16 {
      %add3A_84 = arith.constant 1 : i32
      %add3A_85 = arith.addi %arg0, %add3A_84 : i32
      %jit3A_86 = arith.constant 2 : i32
      %eq3A_87 = arith.constant 0 : i32
      %eq3A_88 = arith.cmpi eq, %jit3A_86, %eq3A_87 : i32
      %jit3A_89 = arith.constant 1 : i32
      %select_n3A_90 = arith.select %eq3A_88, %jit3A_89, %jit3A_86 : i32
      %rem3A_91 = arith.remsi %add3A_85, %select_n3A_90 : i32
      %ne3A_92 = arith.constant 0 : i32
      %ne3A_93 = arith.cmpi ne, %rem3A_91, %ne3A_92 : i32
      %lt3A_94 = arith.constant 0 : i32
      %lt3A_95 = arith.cmpi slt, %rem3A_91, %lt3A_94 : i32
      %lt3A_96 = arith.constant 0 : i32
      %lt3A_97 = arith.cmpi slt, %select_n3A_90, %lt3A_96 : i32
      %ne3A_98 = arith.xori %lt3A_95, %lt3A_97 : i1
      %and3A_99 = arith.andi %ne3A_98, %ne3A_93 : i1
      %add3A_100 = arith.addi %rem3A_91, %select_n3A_90 : i32
      %select_n3A_101 = arith.select %and3A_99, %add3A_100, %rem3A_91 : i32
      %add3A_102 = arith.constant 1 : i32
      %add3A_103 = arith.addi %arg0, %add3A_102 : i32
      %scan3A = arith.constant 0 : i32
      %scan3A_104 = arith.constant 32 : i32
      %scan3A_105 = arith.addi %scan3A, %scan3A_104 : i32
      %scan3A_106 = arith.constant 1 : i32
      scf.for %scan3A_108 = %scan3A to %scan3A_105 step %scan3A_106  : i32 {
        %mul3A = arith.constant 8 : i32
        %mul3A_109 = arith.muli %scan3A_108, %mul3A : i32
        %add3A_110 = arith.constant 0 : i32
        %add3A_111 = arith.addi %mul3A_109, %add3A_110 : i32
        %mul3A_112 = arith.constant 256 : i32
        %mul3A_113 = arith.muli %add3A_103, %mul3A_112 : i32
        %add3A_114 = arith.addi %mul3A_113, %add3A_111 : i32
        %get3A_115 = arith.index_cast %add3A_114 : i32 to index
        %get3A_116 = memref.load %arg1[%get3A_115] : memref<10240xi32, #tpu.memory_space<smem>>
        %max3A_117 = arith.constant 0 : i32
        %max3A_118 = arith.maxsi %get3A_116, %max3A_117 : i32
        %dma_start3A = tpu.memref_slice %arg10[%select_n3A_101] : memref<2x!tpu.dma_semaphore, #tpu.memory_space<semaphore_mem>> -> memref<1x!tpu.dma_semaphore, #tpu.memory_space<semaphore_mem>>
        %dma_start3A_119 = tpu.memref_squeeze %dma_start3A : memref<1x!tpu.dma_semaphore, #tpu.memory_space<semaphore_mem>> -> memref<!tpu.dma_semaphore, #tpu.memory_space<semaphore_mem>>
        %dma_start3A_120 = arith.constant 0 : i32
        %dma_start3A_121 = tpu.memref_slice %arg7[%select_n3A_101, %add3A_111, %dma_start3A_120] : memref<2x256x4096xf32, #tpu.memory_space<vmem>> -> memref<1x1x4096xf32, #tpu.memory_space<vmem>>
        %dma_start3A_122 = tpu.memref_squeeze %dma_start3A_121 : memref<1x1x4096xf32, #tpu.memory_space<vmem>> -> memref<1x4096xf32, #tpu.memory_space<vmem>>
        %dma_start3A_123 = arith.constant 0 : i32
        %dma_start3A_124 = tpu.memref_slice %arg3[%max3A_118, %dma_start3A_123] : memref<8192x4096xf32, #tpu.memory_space<any>> -> memref<1x4096xf32, #tpu.memory_space<any>>
        tpu.enqueue_dma source(%dma_start3A_124 : memref<1x4096xf32, #tpu.memory_space<any>>) target(%dma_start3A_122 : memref<1x4096xf32, #tpu.memory_space<vmem>>) target_semaphore(%dma_start3A_119 : memref<!tpu.dma_semaphore, #tpu.memory_space<semaphore_mem>>)
        %mul3A_125 = arith.constant 8 : i32
        %mul3A_126 = arith.muli %scan3A_108, %mul3A_125 : i32
        %add3A_127 = arith.constant 1 : i32
        %add3A_128 = arith.addi %mul3A_126, %add3A_127 : i32
        %mul3A_129 = arith.constant 256 : i32
        %mul3A_130 = arith.muli %add3A_103, %mul3A_129 : i32
        %add3A_131 = arith.addi %mul3A_130, %add3A_128 : i32
        %get3A_132 = arith.index_cast %add3A_131 : i32 to index
        %get3A_133 = memref.load %arg1[%get3A_132] : memref<10240xi32, #tpu.memory_space<smem>>
        %max3A_134 = arith.constant 0 : i32
        %max3A_135 = arith.maxsi %get3A_133, %max3A_134 : i32
        %dma_start3A_136 = tpu.memref_slice %arg10[%select_n3A_101] : memref<2x!tpu.dma_semaphore, #tpu.memory_space<semaphore_mem>> -> memref<1x!tpu.dma_semaphore, #tpu.memory_space<semaphore_mem>>
        %dma_start3A_137 = tpu.memref_squeeze %dma_start3A_136 : memref<1x!tpu.dma_semaphore, #tpu.memory_space<semaphore_mem>> -> memref<!tpu.dma_semaphore, #tpu.memory_space<semaphore_mem>>
        %dma_start3A_138 = arith.constant 0 : i32
        %dma_start3A_139 = tpu.memref_slice %arg7[%select_n3A_101, %add3A_128, %dma_start3A_138] : memref<2x256x4096xf32, #tpu.memory_space<vmem>> -> memref<1x1x4096xf32, #tpu.memory_space<vmem>>
        %dma_start3A_140 = tpu.memref_squeeze %dma_start3A_139 : memref<1x1x4096xf32, #tpu.memory_space<vmem>> -> memref<1x4096xf32, #tpu.memory_space<vmem>>
        %dma_start3A_141 = arith.constant 0 : i32
        %dma_start3A_142 = tpu.memref_slice %arg3[%max3A_135, %dma_start3A_141] : memref<8192x4096xf32, #tpu.memory_space<any>> -> memref<1x4096xf32, #tpu.memory_space<any>>
        tpu.enqueue_dma source(%dma_start3A_142 : memref<1x4096xf32, #tpu.memory_space<any>>) target(%dma_start3A_140 : memref<1x4096xf32, #tpu.memory_space<vmem>>) target_semaphore(%dma_start3A_137 : memref<!tpu.dma_semaphore, #tpu.memory_space<semaphore_mem>>)
        %mul3A_143 = arith.constant 8 : i32
        %mul3A_144 = arith.muli %scan3A_108, %mul3A_143 : i32
        %add3A_145 = arith.constant 2 : i32
        %add3A_146 = arith.addi %mul3A_144, %add3A_145 : i32
        %mul3A_147 = arith.constant 256 : i32
        %mul3A_148 = arith.muli %add3A_103, %mul3A_147 : i32
        %add3A_149 = arith.addi %mul3A_148, %add3A_146 : i32
        %get3A_150 = arith.index_cast %add3A_149 : i32 to index
        %get3A_151 = memref.load %arg1[%get3A_150] : memref<10240xi32, #tpu.memory_space<smem>>
        %max3A_152 = arith.constant 0 : i32
        %max3A_153 = arith.maxsi %get3A_151, %max3A_152 : i32
        %dma_start3A_154 = tpu.memref_slice %arg10[%select_n3A_101] : memref<2x!tpu.dma_semaphore, #tpu.memory_space<semaphore_mem>> -> memref<1x!tpu.dma_semaphore, #tpu.memory_space<semaphore_mem>>
        %dma_start3A_155 = tpu.memref_squeeze %dma_start3A_154 : memref<1x!tpu.dma_semaphore, #tpu.memory_space<semaphore_mem>> -> memref<!tpu.dma_semaphore, #tpu.memory_space<semaphore_mem>>
        %dma_start3A_156 = arith.constant 0 : i32
        %dma_start3A_157 = tpu.memref_slice %arg7[%select_n3A_101, %add3A_146, %dma_start3A_156] : memref<2x256x4096xf32, #tpu.memory_space<vmem>> -> memref<1x1x4096xf32, #tpu.memory_space<vmem>>
        %dma_start3A_158 = tpu.memref_squeeze %dma_start3A_157 : memref<1x1x4096xf32, #tpu.memory_space<vmem>> -> memref<1x4096xf32, #tpu.memory_space<vmem>>
        %dma_start3A_159 = arith.constant 0 : i32
        %dma_start3A_160 = tpu.memref_slice %arg3[%max3A_153, %dma_start3A_159] : memref<8192x4096xf32, #tpu.memory_space<any>> -> memref<1x4096xf32, #tpu.memory_space<any>>
        tpu.enqueue_dma source(%dma_start3A_160 : memref<1x4096xf32, #tpu.memory_space<any>>) target(%dma_start3A_158 : memref<1x4096xf32, #tpu.memory_space<vmem>>) target_semaphore(%dma_start3A_155 : memref<!tpu.dma_semaphore, #tpu.memory_space<semaphore_mem>>)
        %mul3A_161 = arith.constant 8 : i32
        %mul3A_162 = arith.muli %scan3A_108, %mul3A_161 : i32
        %add3A_163 = arith.constant 3 : i32
        %add3A_164 = arith.addi %mul3A_162, %add3A_163 : i32
        %mul3A_165 = arith.constant 256 : i32
        %mul3A_166 = arith.muli %add3A_103, %mul3A_165 : i32
        %add3A_167 = arith.addi %mul3A_166, %add3A_164 : i32
        %get3A_168 = arith.index_cast %add3A_167 : i32 to index
        %get3A_169 = memref.load %arg1[%get3A_168] : memref<10240xi32, #tpu.memory_space<smem>>
        %max3A_170 = arith.constant 0 : i32
        %max3A_171 = arith.maxsi %get3A_169, %max3A_170 : i32
        %dma_start3A_172 = tpu.memref_slice %arg10[%select_n3A_101] : memref<2x!tpu.dma_semaphore, #tpu.memory_space<semaphore_mem>> -> memref<1x!tpu.dma_semaphore, #tpu.memory_space<semaphore_mem>>
        %dma_start3A_173 = tpu.memref_squeeze %dma_start3A_172 : memref<1x!tpu.dma_semaphore, #tpu.memory_space<semaphore_mem>> -> memref<!tpu.dma_semaphore, #tpu.memory_space<semaphore_mem>>
        %dma_start3A_174 = arith.constant 0 : i32
        %dma_start3A_175 = tpu.memref_slice %arg7[%select_n3A_101, %add3A_164, %dma_start3A_174] : memref<2x256x4096xf32, #tpu.memory_space<vmem>> -> memref<1x1x4096xf32, #tpu.memory_space<vmem>>
        %dma_start3A_176 = tpu.memref_squeeze %dma_start3A_175 : memref<1x1x4096xf32, #tpu.memory_space<vmem>> -> memref<1x4096xf32, #tpu.memory_space<vmem>>
        %dma_start3A_177 = arith.constant 0 : i32
        %dma_start3A_178 = tpu.memref_slice %arg3[%max3A_171, %dma_start3A_177] : memref<8192x4096xf32, #tpu.memory_space<any>> -> memref<1x4096xf32, #tpu.memory_space<any>>
        tpu.enqueue_dma source(%dma_start3A_178 : memref<1x4096xf32, #tpu.memory_space<any>>) target(%dma_start3A_176 : memref<1x4096xf32, #tpu.memory_space<vmem>>) target_semaphore(%dma_start3A_173 : memref<!tpu.dma_semaphore, #tpu.memory_space<semaphore_mem>>)
        %mul3A_179 = arith.constant 8 : i32
        %mul3A_180 = arith.muli %scan3A_108, %mul3A_179 : i32
        %add3A_181 = arith.constant 4 : i32
        %add3A_182 = arith.addi %mul3A_180, %add3A_181 : i32
        %mul3A_183 = arith.constant 256 : i32
        %mul3A_184 = arith.muli %add3A_103, %mul3A_183 : i32
        %add3A_185 = arith.addi %mul3A_184, %add3A_182 : i32
        %get3A_186 = arith.index_cast %add3A_185 : i32 to index
        %get3A_187 = memref.load %arg1[%get3A_186] : memref<10240xi32, #tpu.memory_space<smem>>
        %max3A_188 = arith.constant 0 : i32
        %max3A_189 = arith.maxsi %get3A_187, %max3A_188 : i32
        %dma_start3A_190 = tpu.memref_slice %arg10[%select_n3A_101] : memref<2x!tpu.dma_semaphore, #tpu.memory_space<semaphore_mem>> -> memref<1x!tpu.dma_semaphore, #tpu.memory_space<semaphore_mem>>
        %dma_start3A_191 = tpu.memref_squeeze %dma_start3A_190 : memref<1x!tpu.dma_semaphore, #tpu.memory_space<semaphore_mem>> -> memref<!tpu.dma_semaphore, #tpu.memory_space<semaphore_mem>>
        %dma_start3A_192 = arith.constant 0 : i32
        %dma_start3A_193 = tpu.memref_slice %arg7[%select_n3A_101, %add3A_182, %dma_start3A_192] : memref<2x256x4096xf32, #tpu.memory_space<vmem>> -> memref<1x1x4096xf32, #tpu.memory_space<vmem>>
        %dma_start3A_194 = tpu.memref_squeeze %dma_start3A_193 : memref<1x1x4096xf32, #tpu.memory_space<vmem>> -> memref<1x4096xf32, #tpu.memory_space<vmem>>
        %dma_start3A_195 = arith.constant 0 : i32
        %dma_start3A_196 = tpu.memref_slice %arg3[%max3A_189, %dma_start3A_195] : memref<8192x4096xf32, #tpu.memory_space<any>> -> memref<1x4096xf32, #tpu.memory_space<any>>
        tpu.enqueue_dma source(%dma_start3A_196 : memref<1x4096xf32, #tpu.memory_space<any>>) target(%dma_start3A_194 : memref<1x4096xf32, #tpu.memory_space<vmem>>) target_semaphore(%dma_start3A_191 : memref<!tpu.dma_semaphore, #tpu.memory_space<semaphore_mem>>)
        %mul3A_197 = arith.constant 8 : i32
        %mul3A_198 = arith.muli %scan3A_108, %mul3A_197 : i32
        %add3A_199 = arith.constant 5 : i32
        %add3A_200 = arith.addi %mul3A_198, %add3A_199 : i32
        %mul3A_201 = arith.constant 256 : i32
        %mul3A_202 = arith.muli %add3A_103, %mul3A_201 : i32
        %add3A_203 = arith.addi %mul3A_202, %add3A_200 : i32
        %get3A_204 = arith.index_cast %add3A_203 : i32 to index
        %get3A_205 = memref.load %arg1[%get3A_204] : memref<10240xi32, #tpu.memory_space<smem>>
        %max3A_206 = arith.constant 0 : i32
        %max3A_207 = arith.maxsi %get3A_205, %max3A_206 : i32
        %dma_start3A_208 = tpu.memref_slice %arg10[%select_n3A_101] : memref<2x!tpu.dma_semaphore, #tpu.memory_space<semaphore_mem>> -> memref<1x!tpu.dma_semaphore, #tpu.memory_space<semaphore_mem>>
        %dma_start3A_209 = tpu.memref_squeeze %dma_start3A_208 : memref<1x!tpu.dma_semaphore, #tpu.memory_space<semaphore_mem>> -> memref<!tpu.dma_semaphore, #tpu.memory_space<semaphore_mem>>
        %dma_start3A_210 = arith.constant 0 : i32
        %dma_start3A_211 = tpu.memref_slice %arg7[%select_n3A_101, %add3A_200, %dma_start3A_210] : memref<2x256x4096xf32, #tpu.memory_space<vmem>> -> memref<1x1x4096xf32, #tpu.memory_space<vmem>>
        %dma_start3A_212 = tpu.memref_squeeze %dma_start3A_211 : memref<1x1x4096xf32, #tpu.memory_space<vmem>> -> memref<1x4096xf32, #tpu.memory_space<vmem>>
        %dma_start3A_213 = arith.constant 0 : i32
        %dma_start3A_214 = tpu.memref_slice %arg3[%max3A_207, %dma_start3A_213] : memref<8192x4096xf32, #tpu.memory_space<any>> -> memref<1x4096xf32, #tpu.memory_space<any>>
        tpu.enqueue_dma source(%dma_start3A_214 : memref<1x4096xf32, #tpu.memory_space<any>>) target(%dma_start3A_212 : memref<1x4096xf32, #tpu.memory_space<vmem>>) target_semaphore(%dma_start3A_209 : memref<!tpu.dma_semaphore, #tpu.memory_space<semaphore_mem>>)
        %mul3A_215 = arith.constant 8 : i32
        %mul3A_216 = arith.muli %scan3A_108, %mul3A_215 : i32
        %add3A_217 = arith.constant 6 : i32
        %add3A_218 = arith.addi %mul3A_216, %add3A_217 : i32
        %mul3A_219 = arith.constant 256 : i32
        %mul3A_220 = arith.muli %add3A_103, %mul3A_219 : i32
        %add3A_221 = arith.addi %mul3A_220, %add3A_218 : i32
        %get3A_222 = arith.index_cast %add3A_221 : i32 to index
        %get3A_223 = memref.load %arg1[%get3A_222] : memref<10240xi32, #tpu.memory_space<smem>>
        %max3A_224 = arith.constant 0 : i32
        %max3A_225 = arith.maxsi %get3A_223, %max3A_224 : i32
        %dma_start3A_226 = tpu.memref_slice %arg10[%select_n3A_101] : memref<2x!tpu.dma_semaphore, #tpu.memory_space<semaphore_mem>> -> memref<1x!tpu.dma_semaphore, #tpu.memory_space<semaphore_mem>>
        %dma_start3A_227 = tpu.memref_squeeze %dma_start3A_226 : memref<1x!tpu.dma_semaphore, #tpu.memory_space<semaphore_mem>> -> memref<!tpu.dma_semaphore, #tpu.memory_space<semaphore_mem>>
        %dma_start3A_228 = arith.constant 0 : i32
        %dma_start3A_229 = tpu.memref_slice %arg7[%select_n3A_101, %add3A_218, %dma_start3A_228] : memref<2x256x4096xf32, #tpu.memory_space<vmem>> -> memref<1x1x4096xf32, #tpu.memory_space<vmem>>
        %dma_start3A_230 = tpu.memref_squeeze %dma_start3A_229 : memref<1x1x4096xf32, #tpu.memory_space<vmem>> -> memref<1x4096xf32, #tpu.memory_space<vmem>>
        %dma_start3A_231 = arith.constant 0 : i32
        %dma_start3A_232 = tpu.memref_slice %arg3[%max3A_225, %dma_start3A_231] : memref<8192x4096xf32, #tpu.memory_space<any>> -> memref<1x4096xf32, #tpu.memory_space<any>>
        tpu.enqueue_dma source(%dma_start3A_232 : memref<1x4096xf32, #tpu.memory_space<any>>) target(%dma_start3A_230 : memref<1x4096xf32, #tpu.memory_space<vmem>>) target_semaphore(%dma_start3A_227 : memref<!tpu.dma_semaphore, #tpu.memory_space<semaphore_mem>>)
        %mul3A_233 = arith.constant 8 : i32
        %mul3A_234 = arith.muli %scan3A_108, %mul3A_233 : i32
        %add3A_235 = arith.constant 7 : i32
        %add3A_236 = arith.addi %mul3A_234, %add3A_235 : i32
        %mul3A_237 = arith.constant 256 : i32
        %mul3A_238 = arith.muli %add3A_103, %mul3A_237 : i32
        %add3A_239 = arith.addi %mul3A_238, %add3A_236 : i32
        %get3A_240 = arith.index_cast %add3A_239 : i32 to index
        %get3A_241 = memref.load %arg1[%get3A_240] : memref<10240xi32, #tpu.memory_space<smem>>
        %max3A_242 = arith.constant 0 : i32
        %max3A_243 = arith.maxsi %get3A_241, %max3A_242 : i32
        %dma_start3A_244 = tpu.memref_slice %arg10[%select_n3A_101] : memref<2x!tpu.dma_semaphore, #tpu.memory_space<semaphore_mem>> -> memref<1x!tpu.dma_semaphore, #tpu.memory_space<semaphore_mem>>
        %dma_start3A_245 = tpu.memref_squeeze %dma_start3A_244 : memref<1x!tpu.dma_semaphore, #tpu.memory_space<semaphore_mem>> -> memref<!tpu.dma_semaphore, #tpu.memory_space<semaphore_mem>>
        %dma_start3A_246 = arith.constant 0 : i32
        %dma_start3A_247 = tpu.memref_slice %arg7[%select_n3A_101, %add3A_236, %dma_start3A_246] : memref<2x256x4096xf32, #tpu.memory_space<vmem>> -> memref<1x1x4096xf32, #tpu.memory_space<vmem>>
        %dma_start3A_248 = tpu.memref_squeeze %dma_start3A_247 : memref<1x1x4096xf32, #tpu.memory_space<vmem>> -> memref<1x4096xf32, #tpu.memory_space<vmem>>
        %dma_start3A_249 = arith.constant 0 : i32
        %dma_start3A_250 = tpu.memref_slice %arg3[%max3A_243, %dma_start3A_249] : memref<8192x4096xf32, #tpu.memory_space<any>> -> memref<1x4096xf32, #tpu.memory_space<any>>
        tpu.enqueue_dma source(%dma_start3A_250 : memref<1x4096xf32, #tpu.memory_space<any>>) target(%dma_start3A_248 : memref<1x4096xf32, #tpu.memory_space<vmem>>) target_semaphore(%dma_start3A_245 : memref<!tpu.dma_semaphore, #tpu.memory_space<semaphore_mem>>)
      }
      %scan3A_107 = arith.constant 32 : i32
    } else {
    }
    %jit3A_17 = arith.constant 2 : i32
    %eq3A_18 = arith.constant 0 : i32
    %eq3A_19 = arith.cmpi eq, %jit3A_17, %eq3A_18 : i32
    %jit3A_20 = arith.constant 1 : i32
    %select_n3A_21 = arith.select %eq3A_19, %jit3A_20, %jit3A_17 : i32
    %rem3A = arith.remsi %arg0, %select_n3A_21 : i32
    %ne3A_22 = arith.constant 0 : i32
    %ne3A_23 = arith.cmpi ne, %rem3A, %ne3A_22 : i32
    %lt3A_24 = arith.constant 0 : i32
    %lt3A_25 = arith.cmpi slt, %rem3A, %lt3A_24 : i32
    %lt3A_26 = arith.constant 0 : i32
    %lt3A_27 = arith.cmpi slt, %select_n3A_21, %lt3A_26 : i32
    %ne3A_28 = arith.xori %lt3A_25, %lt3A_27 : i1
    %and3A = arith.andi %ne3A_28, %ne3A_23 : i1
    %add3A_29 = arith.addi %rem3A, %select_n3A_21 : i32
    %select_n3A_30 = arith.select %and3A, %add3A_29, %rem3A : i32
    %dma_wait3A = tpu.memref_slice %arg10[%select_n3A_30] : memref<2x!tpu.dma_semaphore, #tpu.memory_space<semaphore_mem>> -> memref<1x!tpu.dma_semaphore, #tpu.memory_space<semaphore_mem>>
    %dma_wait3A_31 = tpu.memref_squeeze %dma_wait3A : memref<1x!tpu.dma_semaphore, #tpu.memory_space<semaphore_mem>> -> memref<!tpu.dma_semaphore, #tpu.memory_space<semaphore_mem>>
    %dma_wait3A_32 = arith.constant 0 : i32
    %dma_wait3A_33 = arith.constant 0 : i32
    %dma_wait3A_34 = tpu.memref_slice %arg7[%select_n3A_30, %dma_wait3A_32, %dma_wait3A_33] : memref<2x256x4096xf32, #tpu.memory_space<vmem>> -> memref<1x256x4096xf32, #tpu.memory_space<vmem>>
    %dma_wait3A_35 = tpu.memref_squeeze %dma_wait3A_34 : memref<1x256x4096xf32, #tpu.memory_space<vmem>> -> memref<256x4096xf32, #tpu.memory_space<vmem>>
    %dma_wait3A_36 = arith.constant 0 : i32
    %dma_wait3A_37 = arith.constant 0 : i32
    %dma_wait3A_38 = tpu.memref_slice %arg3[%dma_wait3A_36, %dma_wait3A_37] : memref<8192x4096xf32, #tpu.memory_space<any>> -> memref<256x4096xf32, #tpu.memory_space<any>>
    tpu.wait_dma2 semaphore(%dma_wait3A_31 : memref<!tpu.dma_semaphore, #tpu.memory_space<semaphore_mem>>) src(%dma_wait3A_38 : memref<256x4096xf32, #tpu.memory_space<any>>) dst(%dma_wait3A_35 : memref<256x4096xf32, #tpu.memory_space<vmem>>)
    %convert_element_type3A_39 = arith.extui %select_n3A : i1 to i32
    %cond3A_40 = arith.constant 0 : i32
    %cond3A_41 = arith.cmpi ne, %convert_element_type3A_39, %cond3A_40 : i32
    scf.if %cond3A_41 {
      %get3A_84 = arith.index_cast %arg0 : i32 to index
      %get3A_85 = memref.load %arg2[%get3A_84] : memref<40xi32, #tpu.memory_space<smem>>
      %dma_wait3A_86 = arith.constant 0 : i32
      %dma_wait3A_87 = arith.constant 0 : i32
      %dma_wait3A_88 = tpu.memref_slice %arg4[%get3A_85, %dma_wait3A_86, %dma_wait3A_87] : memref<8x4096x2048xf32, #tpu.memory_space<any>> -> memref<1x4096x2048xf32, #tpu.memory_space<any>>
      %dma_wait3A_89 = tpu.memref_squeeze %dma_wait3A_88 : memref<1x4096x2048xf32, #tpu.memory_space<any>> -> memref<4096x2048xf32, #tpu.memory_space<any>>
      tpu.wait_dma2 semaphore(%arg11 : memref<!tpu.dma_semaphore, #tpu.memory_space<semaphore_mem>>) src(%dma_wait3A_89 : memref<4096x2048xf32, #tpu.memory_space<any>>) dst(%arg8 : memref<4096x2048xf32, #tpu.memory_space<vmem>>)
      %get3A_90 = arith.constant 0 : index
      %get3A_91 = arith.constant 0 : index
      %get3A_92 = vector.load %arg8[%get3A_90, %get3A_91] : memref<4096x2048xf32, #tpu.memory_space<vmem>>, vector<4096x2048xf32>
      %convert_element_type3A_93 = arith.truncf %get3A_92 : vector<4096x2048xf32> to vector<4096x2048xbf16>
      %swap3A = arith.constant 0 : index
      %swap3A_94 = arith.constant 0 : index
      %swap3A_95 = vector.load %arg9[%swap3A, %swap3A_94] : memref<4096x2048xbf16, #tpu.memory_space<vmem>>, vector<4096x2048xbf16>
      tpu.vector_store %arg9[%swap3A, %swap3A_94], %convert_element_type3A_93 {strides = array<i32>} : memref<4096x2048xbf16, #tpu.memory_space<vmem>>, vector<4096x2048xbf16>,
    } else {
    }
    %jit3A_42 = arith.constant 2 : i32
    %eq3A_43 = arith.constant 0 : i32
    %eq3A_44 = arith.cmpi eq, %jit3A_42, %eq3A_43 : i32
    %jit3A_45 = arith.constant 1 : i32
    %select_n3A_46 = arith.select %eq3A_44, %jit3A_45, %jit3A_42 : i32
    %rem3A_47 = arith.remsi %arg0, %select_n3A_46 : i32
    %ne3A_48 = arith.constant 0 : i32
    %ne3A_49 = arith.cmpi ne, %rem3A_47, %ne3A_48 : i32
    %lt3A_50 = arith.constant 0 : i32
    %lt3A_51 = arith.cmpi slt, %rem3A_47, %lt3A_50 : i32
    %lt3A_52 = arith.constant 0 : i32
    %lt3A_53 = arith.cmpi slt, %select_n3A_46, %lt3A_52 : i32
    %ne3A_54 = arith.xori %lt3A_51, %lt3A_53 : i1
    %and3A_55 = arith.andi %ne3A_54, %ne3A_49 : i1
    %add3A_56 = arith.addi %rem3A_47, %select_n3A_46 : i32
    %select_n3A_57 = arith.select %and3A_55, %add3A_56, %rem3A_47 : i32
    %eq3A_58 = arith.constant 0 : i32
    %eq3A_59 = arith.cmpi eq, %select_n3A_57, %eq3A_58 : i32
    %convert_element_type3A_60 = arith.extui %eq3A_59 : i1 to i32
    %cond3A_61 = arith.constant 0 : i32
    %cond3A_62 = arith.cmpi ne, %convert_element_type3A_60, %cond3A_61 : i32
    scf.if %cond3A_62 {
      %get3A_84 = arith.constant 0 : index
      %get3A_85 = arith.constant 0 : index
      %get3A_86 = arith.constant 0 : index
      %get3A_87 = vector.load %arg7[%get3A_84, %get3A_85, %get3A_86] : memref<2x256x4096xf32, #tpu.memory_space<vmem>>, vector<1x256x4096xf32>
      %get3A_88 = vector.shape_cast %get3A_87 : vector<1x256x4096xf32> to vector<256x4096xf32>
      %convert_element_type3A_89 = arith.truncf %get3A_88 : vector<256x4096xf32> to vector<256x4096xbf16>
      %get3A_90 = arith.constant 0 : index
      %get3A_91 = arith.constant 0 : index
      %get3A_92 = vector.load %arg9[%get3A_90, %get3A_91] : memref<4096x2048xbf16, #tpu.memory_space<vmem>>, vector<4096x2048xbf16>
      %dot_general3A = arith.constant dense<0.000000e+00> : vector<256x2048xf32>
      %dot_general3A_93 = tpu.matmul %convert_element_type3A_89, %get3A_92, %dot_general3A {dimension_numbers = #tpu.dot_dimension_numbers<[1], [0], [0], [1], [0, 0, 1, 1], [], []>, transpose_lhs_hint = false} : vector<256x4096xbf16>, vector<4096x2048xbf16>, vector<256x2048xf32> -> vector<256x2048xf32>
      %get3A_94 = arith.constant 0 : index
      %get3A_95 = arith.constant 0 : index
      %get3A_96 = arith.constant 0 : index
      %get3A_97 = vector.load %arg5[%get3A_94, %get3A_95, %get3A_96] : memref<1x1x256xf32, #tpu.memory_space<vmem>>, vector<1x1x256xf32>
      %get3A_98 = vector.shape_cast %get3A_97 : vector<1x1x256xf32> to vector<256xf32>
      %broadcast_in_dim3A = vector.shape_cast %get3A_98 : vector<256xf32> to vector<256x1xf32>
      %mul3A = vector.broadcast %broadcast_in_dim3A : vector<256x1xf32> to vector<256x2048xf32>
      %mul3A_99 = arith.mulf %dot_general3A_93, %mul3A : vector<256x2048xf32>
      %swap3A = arith.constant 0 : index
      %swap3A_100 = arith.constant 0 : index
      %swap3A_101 = vector.load %arg6[%swap3A, %swap3A_100] : memref<256x2048xf32, #tpu.memory_space<vmem>>, vector<256x2048xf32>
      tpu.vector_store %arg6[%swap3A, %swap3A_100], %mul3A_99 {strides = array<i32>} : memref<256x2048xf32, #tpu.memory_space<vmem>>, vector<256x2048xf32>,
    } else {
    }
    %jit3A_63 = arith.constant 2 : i32
    %eq3A_64 = arith.constant 0 : i32
    %eq3A_65 = arith.cmpi eq, %jit3A_63, %eq3A_64 : i32
    %jit3A_66 = arith.constant 1 : i32
    %select_n3A_67 = arith.select %eq3A_65, %jit3A_66, %jit3A_63 : i32
    %rem3A_68 = arith.remsi %arg0, %select_n3A_67 : i32
    %ne3A_69 = arith.constant 0 : i32
    %ne3A_70 = arith.cmpi ne, %rem3A_68, %ne3A_69 : i32
    %lt3A_71 = arith.constant 0 : i32
    %lt3A_72 = arith.cmpi slt, %rem3A_68, %lt3A_71 : i32
    %lt3A_73 = arith.constant 0 : i32
    %lt3A_74 = arith.cmpi slt, %select_n3A_67, %lt3A_73 : i32
    %ne3A_75 = arith.xori %lt3A_72, %lt3A_74 : i1
    %and3A_76 = arith.andi %ne3A_75, %ne3A_70 : i1
    %add3A_77 = arith.addi %rem3A_68, %select_n3A_67 : i32
    %select_n3A_78 = arith.select %and3A_76, %add3A_77, %rem3A_68 : i32
    %eq3A_79 = arith.constant 1 : i32
    %eq3A_80 = arith.cmpi eq, %select_n3A_78, %eq3A_79 : i32
    %convert_element_type3A_81 = arith.extui %eq3A_80 : i1 to i32
    %cond3A_82 = arith.constant 0 : i32
    %cond3A_83 = arith.cmpi ne, %convert_element_type3A_81, %cond3A_82 : i32
    scf.if %cond3A_83 {
      %get3A_84 = arith.constant 1 : index
      %get3A_85 = arith.constant 0 : index
      %get3A_86 = arith.constant 0 : index
      %get3A_87 = vector.load %arg7[%get3A_84, %get3A_85, %get3A_86] : memref<2x256x4096xf32, #tpu.memory_space<vmem>>, vector<1x256x4096xf32>
      %get3A_88 = vector.shape_cast %get3A_87 : vector<1x256x4096xf32> to vector<256x4096xf32>
      %convert_element_type3A_89 = arith.truncf %get3A_88 : vector<256x4096xf32> to vector<256x4096xbf16>
      %get3A_90 = arith.constant 0 : index
      %get3A_91 = arith.constant 0 : index
      %get3A_92 = vector.load %arg9[%get3A_90, %get3A_91] : memref<4096x2048xbf16, #tpu.memory_space<vmem>>, vector<4096x2048xbf16>
      %dot_general3A = arith.constant dense<0.000000e+00> : vector<256x2048xf32>
      %dot_general3A_93 = tpu.matmul %convert_element_type3A_89, %get3A_92, %dot_general3A {dimension_numbers = #tpu.dot_dimension_numbers<[1], [0], [0], [1], [0, 0, 1, 1], [], []>, transpose_lhs_hint = false} : vector<256x4096xbf16>, vector<4096x2048xbf16>, vector<256x2048xf32> -> vector<256x2048xf32>
      %get3A_94 = arith.constant 0 : index
      %get3A_95 = arith.constant 0 : index
      %get3A_96 = arith.constant 0 : index
      %get3A_97 = vector.load %arg5[%get3A_94, %get3A_95, %get3A_96] : memref<1x1x256xf32, #tpu.memory_space<vmem>>, vector<1x1x256xf32>
      %get3A_98 = vector.shape_cast %get3A_97 : vector<1x1x256xf32> to vector<256xf32>
      %broadcast_in_dim3A = vector.shape_cast %get3A_98 : vector<256xf32> to vector<256x1xf32>
      %mul3A = vector.broadcast %broadcast_in_dim3A : vector<256x1xf32> to vector<256x2048xf32>
      %mul3A_99 = arith.mulf %dot_general3A_93, %mul3A : vector<256x2048xf32>
      %swap3A = arith.constant 0 : index
      %swap3A_100 = arith.constant 0 : index
      %swap3A_101 = vector.load %arg6[%swap3A, %swap3A_100] : memref<256x2048xf32, #tpu.memory_space<vmem>>, vector<256x2048xf32>
      tpu.vector_store %arg6[%swap3A, %swap3A_100], %mul3A_99 {strides = array<i32>} : memref<256x2048xf32, #tpu.memory_space<vmem>>, vector<256x2048xf32>,
    } else {
    }
    return
  }
  func.func @transform_2(%arg0: i32, %arg1: memref<10240xi32, #tpu.memory_space<smem>>, %arg2: memref<40xi32, #tpu.memory_space<smem>>) -> (i32, i32, i32) {
    %c0_i32 = arith.constant 0 : i32
    %c0_i32_0 = arith.constant 0 : i32
    %c0_i32_1 = arith.constant 0 : i32
    return %arg0, %c0_i32, %c0_i32_0 : i32, i32, i32
  }
  func.func @transform_3(%arg0: i32, %arg1: memref<10240xi32, #tpu.memory_space<smem>>, %arg2: memref<40xi32, #tpu.memory_space<smem>>) -> (i32, i32) {
    %c0_i32 = arith.constant 0 : i32
    %c0_i32_0 = arith.constant 0 : i32
    return %arg0, %c0_i32 : i32, i32
  }
}

</mosaic_0001>

<sc_bundles>
// kernel: gather_offload_async_start.1
scs
__scs_entry_jumppad:
0x0: {  	(pc) =	sbr.rel $0x88, $3  }
0x1: {  	(tag) =	ssettag $0x0;
	lr =	simm.s32 $0x1  }
0x2: {  	[smem:$0x3F9D] =	sst lr;
	_ =	strace $0xD0000000  }
0x3: {  	_ = 	snop  }
0x4: {  	_ = 	snop  }
0x5: {  	_ = 	snop  }
0x6: {  	_ = 	snop  }
0x7: {  	_ = 	snop  }
__scs_overlays_trampoline_lowered:
0x8: {  	[smem:$0x3FAC] =	sst s0  }
0x9: {  	[smem:$0x3FAD] =	sst s1  }
0xa: {  	[smem:$0x3FAE] =	sst s2  }
0xb: {  	[smem:$0x3FAF] =	sst s3  }
0xc: {  	[smem:$0x3FB0] =	sst s4  }
0xd: {  	[smem:$0x3FB1] =	sst s5  }
0xe: {  	[smem:$0x3FB2] =	sst s6  }
0xf: {  	[smem:$0x3FB3] =	sst s7  }
0x10: {  	[smem:$0x3FB4] =	sst s8  }
0x11: {  	[smem:$0x3FB5] =	sst s9;
	s0 =	simm.s32 @!p0 $0x0  }
0x12: {  	s1 =	sld [smem:$0x3F9B];
	s0 =	simm.s32 @p0 $0x1  }
0x13: {  	[smem:$0x3FB6] =	sst s0;
	s0 =	simm.s32 @!p1 $0x0  }
0x14: {  	s2 =	sld [smem:$0x3F9A];
	s0 =	simm.s32 @p1 $0x1  }
0x15: {  	[smem:$0x3FB7] =	sst s0;
	s0 =	simm.s32 @!p2 $0x0  }
0x16: {  	s3 =	sld [smem:$0x3FDB];
	s0 =	simm.s32 @p2 $0x1  }
0x17: {  	s4 =	simm.s32 $0x1BF5;
	[smem:$0x3FB9] =	sst s0  }
0x18: {  	s0 =	sld [smem:$0x3F9C];
	_ =	swait.ge [sflag:s4], $0x0  }
0x19: {  	s7 =	sld [smem:$0x3F9D]  }
0x1a: {  	s8 =	sadd.s32 $0xFFFFE003, lr  }
0x1b: {  	s9 =	sadd.s32 $0xFFFFFEF7, lr;
	s5 =	simm.s32 $0xFFFFFFFF;
	p2 =	slt.u32 s8, $0xFFFFF086  }
0x1c: {  	p1 =	slt.u32 s9, $0xF7A;
	s5 =	simm.s32 @!p2 $0x0  }
0x1d: {  	s5 =	simm.s32 @p1 $0x1;
	p0 =	seq.s32 s7, s2  }
0x1e: {  	s7 =	smul.u32 @!p0 $0xF7A, s2;
	p2 =	seq.s32 @!p0 s5, $0x0  }
0x1f: {  	s9 =	smul.u32 $0xF7A, s1;
	s8 =	simm.s32 @!p0 $0x1BF5;
	p2 =	por !p2, p0  }
0x20: {  	[sflag:s8] =	ssyncset.s32 @!p0 $0xFFFFF086;
	s6 =	sadd.s32 @!p0 s3, s7;
	s7 =	simm.s32 @!p0 $0x108  }
0x21: {  	s3 =	sadd.s32 s3, s9;
	s6 =	sadd.s32 @!p0 $0x88, s6;
	s7 =	simm.s32 @p2 $0x1082  }
0x22: {  	[simem:s7], [sflag:s8] =	dma.local @!p0 [hbm:s6], $0xF7A  }
0x23: {  	s9 =	sor.u32 $0xD0000000, s2;
	s6 =	simm.s32 $0x108;
	_ =	swait.ge @!p0 [sflag:s8], $0x0  }
0x24: {  	s3 =	sadd.s32 $0x88, s3;
	s6 =	simm.s32 @!p1 $0x1082;
	[sflag:s4] =	ssyncset.s32 $0xFFFFF086  }
0x25: {  	[simem:s6], [sflag:s4] =	dma.local [hbm:s3], $0xF7A  }
0x26: {  	[smem:$0x3F9D] =	sst s1;
	(tag) =	ssettag s2;
	_ =	strace s9  }
0x27: {  	s1 =	sld [smem:$0x3FAD]  }
0x28: {  	s2 =	sld [smem:$0x3FAE]  }
0x29: {  	s4 =	sld [smem:$0x3FB0]  }
0x2a: {  	p0 =	seq.s32 s5, $0x0;
	s5 =	sld [smem:$0x3FB1]  }
0x2b: {  	s6 =	sld [smem:$0x3FB2]  }
0x2c: {  	s7 =	sld [smem:$0x3FB3]  }
0x2d: {  	s3 =	simm.s32 $0x108;
	s8 =	sld [smem:$0x3FB4]  }
0x2e: {  	s3 =	simm.s32 @!p0 $0x1082;
	s9 =	sld [smem:$0x3FB5]  }
0x2f: {  	lr =	sadd.s32 s0, s3;
	s0 =	sld [smem:$0x3FAC]  }
0x30: {  	s3 =	sld [smem:$0x3FAF]  }
0x31: {  	[smem:$0x3FB8] =	sst s10  }
0x32: {  	s10 =	sld [smem:$0x3FB6];
	_ =	sdelay $0x3  }
0x33: {  	p0 =	seq.s32 s10, $0x1;
	s10 =	sld [smem:$0x3FB8];
	_ =	sdelay $0x3  }
0x34: {  	[smem:$0x3FB8] =	sst s10  }
0x35: {  	s10 =	sld [smem:$0x3FB7];
	_ =	sdelay $0x3  }
0x36: {  	p1 =	seq.s32 s10, $0x1;
	s10 =	sld [smem:$0x3FB8];
	_ =	sdelay $0x3  }
0x37: {  	[smem:$0x3FB8] =	sst s10  }
0x38: {  	s10 =	sld [smem:$0x3FB9]  }
0x39: {  	_ = 	snop;
	(pc) =	sbr.ind lr, $3  }
0x3a: {  	_ = 	snop  }
0x3b: {  	_ = 	snop  }
0x3c: {  	p2 =	seq.s32 s10, $0x1;
	s10 =	sld [smem:$0x3FB8]  }
0x3d: {  	_ =	shalt  }
0x3e: {  	_ =	shalt  }
0x3f: {  	_ =	shalt  }
0x40: {  	_ =	shalt  }
0x41: {  	_ =	shalt  }
0x42: {  	_ =	shalt  }
0x43: {  	_ =	shalt  }
0x44: {  	_ =	shalt  }
0x45: {  	_ =	shalt  }
0x46: {  	_ =	shalt  }
0x47: {  	_ =	shalt  }
0x48: {  	_ =	shalt  }
0x49: {  	_ =	shalt  }
0x4a: {  	_ =	shalt  }
0x4b: {  	_ =	shalt  }
0x4c: {  	_ =	shalt  }
0x4d: {  	_ =	shalt  }
0x4e: {  	_ =	shalt  }
0x4f: {  	_ =	shalt  }
0x50: {  	_ =	shalt  }
0x51: {  	_ =	shalt  }
0x52: {  	_ =	shalt  }
0x53: {  	_ =	shalt  }
0x54: {  	_ =	shalt  }
0x55: {  	_ =	shalt  }
0x56: {  	_ =	shalt  }
0x57: {  	_ =	shalt  }
0x58: {  	_ =	shalt  }
0x59: {  	_ =	shalt  }
0x5a: {  	_ =	shalt  }
0x5b: {  	_ =	shalt  }
0x5c: {  	_ =	shalt  }
0x5d: {  	_ =	shalt  }
0x5e: {  	_ =	shalt  }
0x5f: {  	_ =	shalt  }
0x60: {  	_ =	shalt  }
0x61: {  	_ =	shalt  }
0x62: {  	_ =	shalt  }
0x63: {  	_ =	shalt  }
0x64: {  	_ =	shalt  }
0x65: {  	_ =	shalt  }
0x66: {  	_ =	shalt  }
0x67: {  	_ =	shalt  }
0x68: {  	_ =	shalt  }
0x69: {  	_ =	shalt  }
0x6a: {  	_ =	shalt  }
0x6b: {  	_ =	shalt  }
0x6c: {  	_ =	shalt  }
0x6d: {  	_ =	shalt  }
0x6e: {  	_ =	shalt  }
0x6f: {  	_ =	shalt  }
0x70: {  	_ =	shalt  }
0x71: {  	_ =	shalt  }
0x72: {  	_ =	shalt  }
0x73: {  	_ =	shalt  }
0x74: {  	_ =	shalt  }
0x75: {  	_ =	shalt  }
0x76: {  	_ =	shalt  }
0x77: {  	_ =	shalt  }
0x78: {  	_ =	shalt  }
0x79: {  	_ =	shalt  }
0x7a: {  	_ =	shalt  }
0x7b: {  	_ =	shalt  }
0x7c: {  	_ =	shalt  }
0x7d: {  	_ =	shalt  }
0x7e: {  	_ =	shalt  }
0x7f: {  	_ =	shalt  }
0x80: {  	_ =	shalt  }
0x81: {  	_ =	shalt  }
0x82: {  	_ =	shalt  }
0x83: {  	_ =	shalt  }
0x84: {  	_ =	shalt  }
0x85: {  	_ =	shalt  }
0x86: {  	_ =	shalt  }
0x87: {  	_ =	shalt  }
.Lfunc_end0:
.L_simem_size_0:
called_computation.1_lowered:
.L_overlay_start_0:
0x88: {  	s2 =	sld [smem:$0x3FD9]  }
0x89: {  	s3 =	sld [smem:$0x3FFE];
	_ =	sdelay $0x1  }
0x8a: {  	s1 =	srdreg.scid  }
0x8b: {  	s0 =	sand.u32 $0x1, s1  }
0x8c: {  	s16 =	sshll.u32 s0, $0xA;
	s2 =	sadd.s32 s3, s2  }
0x8d: {  	s2 =	sadd.s32 s2, s16  }
0x8e: {  	[smem:$0x3FC4] =	sst s2  }
0x8f: {  	_ = 	snop  }
0x90: {  	(tm) =	ssettm $0x1  }
0x91: {  	s17 =	sld [smem:$0x3FFB];
	_ =	sdelay $0x3  }
0x92: {  	_ =	strace s17  }
0x93: {  	s2 =	sld [smem:$0x3FFC];
	_ =	sdelay $0x3  }
0x94: {  	_ =	strace s2  }
0x95: {  	s2 =	sld [smem:$0x3FFD];
	_ =	sdelay $0x3  }
0x96: {  	_ =	strace s2  }
0x97: {  	_ =	strace $0x8FFFFFFF  }
0x98: {  	s18 =	sld [smem:$0x3FDB];
	_ =	sdelay $0x1  }
0x99: {  	s19 =	simm.s32 $_scs_section_size  }
0x9a: {  	s4 =	simm.s32 $_size__tile_overlayer_lowered;
	s5 =	simm.s32 $_tile_overlayer_lowered  }
0x9b: {  	s22 =	simm.s32 $0x1BFF;
	s21 =	sshll.u32 s5, $0x1;
	s2 =	sadd.s32 s19, s18  }
0x9c: {  	s6 =	simm.s32 $0x0;
	s20 =	sshll.u32 s4, $0x1;
	s4 =	sadd.s32 s21, s2  }
0x9d: {  	[timem:s6], [sflag:s22] =	dma.local [hbm:s4], s20  }
0x9e: {  	_ =	swait.ge [sflag:s22], s20  }
0x9f: {  	s3 =	ssub.s32 $0x0, s20;
	[sflag:s22] =	ssyncset.done $0x0  }
0xa0: {  	[sflag:s22] =	ssyncadd.s32 s3;
	_ =	sdelay $0x1  }
0xa1: {  	s23 =	simm.s32 $0x1B8B  }
0xa2: {  	_ =	swait.ge [sflag:s23], $0x1  }
0xa3: {  	[sflag:s23] =	ssyncset.done $0x0  }
0xa4: {  	s25 =	simm.s32 $0x1B8E;
	s24 =	sld [smem:$0x3FFE];
	[sflag:s23] =	ssyncadd.s32 $0xFFFFFFFF  }
0xa5: {  	s26 =	simm.s32 $execute0_lowered;
	[smem:$0x3FD2] =	sst s25  }
0xa6: {  	s4 =	sshll.u32 s26, $0x1;
	_ =	strace $0x80000049;
	[dreg:$0x1] =	wrdreg $0xFFFFFFFF  }
0xa7: {  	s28 =	simm.s32 $_size_execute0_lowered;
	s2 =	sadd.s32 s2, s4;
	[dreg:$0x0] =	wrdreg $0x0  }
0xa8: {  	s4 =	sshll.u32 s28, $0x1;
	[dreg:$0x2] =	wrdreg s2  }
0xa9: {  	[dreg:$0x3] =	wrdreg s4  }
0xaa: {  	[dreg:$0x4] =	wrdreg $0xC0  }
0xab: {  	_ =	task [dreg:s6], $0x5FFFF  }
0xac: {  	[dreg:$0x1] =	wrdreg $0xFFFFFFFF  }
0xad: {  	[dreg:$0x0] =	wrdreg $0x60  }
0xae: {  	[dreg:$0x2] =	wrdreg s24  }
0xaf: {  	[dreg:$0x3] =	wrdreg $0x9  }
0xb0: {  	_ =	task.clear_ibuf [dreg:s6], $0x4FFFF;
	_ =	strace $0x90000049  }
0xb1: {  	s29 =	simm.s32 $0x9;
	_ =	strace $0x8000004B  }
0xb2: {  	_ =	swait.ge [sflag:s29], $0x1  }
0xb3: {  	[sflag:s29] =	ssyncadd.s32 $0xFFFFFFFF  }
0xb4: {  	_ =	strace $0x9000004B  }
0xb5: {  	_ =	sfence  }
0xb6: {  	s30 =	sld [smem:$0x0];
	_ =	sdelay $0x2  }
0xb7: {  	s31 =	sshll.u32 s1, $0xD;
	s1 =	sshrl.u32 s1, $0x2  }
0xb8: {  	s3 =	sand.u32 $0x4000, s31;
	s1 =	sadd.s32 s1, s30  }
0xb9: {  	s0 =	sor.u32 s3, s0;
	s1 =	sshll.u32 s1, $0x11  }
0xba: {  	s0 =	sor.u32 s1, s0  }
0xbb: {  	s0 =	sadd.s32 $0x8F2B, s0  }
0xbc: {  	[sflag:s0] =	ssyncadd.remote.s32 $0x1  }
0xbd: {  	_ =	sfence.sel $0xFFFF  }
0xbe: {  	[dreg:$0x0] =	wrdreg $0xFFFFFFFF;
	(pc) =	sbr.abs _section_cstart, $3  }
0xbf: {  	[dreg:$0x1] =	wrdreg $0xFFFFFFFF  }
0xc0: {  	_ =	task.clear_ibuf [dreg:s6], $0x2FFFF;
	_ =	strace $0x9FFFFFFF  }
0xc1: {  	(tm) =	ssettm $0x7FFFFFFF  }
tec
execute0_lowered:
.L_overlay_start_1:
0x0: {  	(tag) =	ssettag $0x1  }
0x1: {  	s0 =	srdreg.scid;
	s5 =	rddreg [dreg:$0x0]  }
0x2: {  	s1 =	stileid.u32;
	s6 =	simm.s32 $0x1;
	s9 =	simm.s32 $0x1  }
0x3: {  	s10 =	simm.s32 $0x3;
	s13 =	simm.s32 $0x0;
	s2 =	sshll.u32 s0, $0x8  }
0x4: {  	s12 =	simm.s32 $0x0;
	s3 =	sshll.u32 s1, $0x9;
	s2 =	sand.u32 $0x100, s2  }
0x5: {  	s0 =	rddreg [dreg:$0x1];
	_ =	strace $0x8000004A;
	s2 =	sor.u32 s3, s2  }
0x6: {  	s4 =	sadd.s32 $0x400, s5;
	[sflag:s6] =	ssyncpa.u1 $0x0;
	s8 =	ssub.s32 $0x2800, s2  }
.Ltmp0:
0x7: {  	s3 =	sadd.s32 $0x1600, s5;
	s7 =	sand.u32 $0x1F00, s8;
	(pc) =	sbr.rel .LBB2_1-.Ltmp0, $4  }
0x8: {  	s5 =	sadd.s32 $0x1A00, s5;
	s11 =	smov.u32 s2;
	p0 =	sne.s32 s7, $0x0  }
0x9: {  	s8 =	sshrl.u32 s8, $0xD;
	s7 =	simm.s32 $0x2;
	s9 =	simm.s32 @!p0 $0x0  }
0xa: {  	[sflag:s7] =	ssyncpa.u1 $0x0;
	p0 =	por $0x0, $0x0;
	s8 =	sadd.s32 s9, s8  }
0xb: {  	vm0 =	vmmov $0xffff;
	[sflag:s10] =	ssyncpa.u1 $0x0;
	s10 =	simm.s32 $0x0;
	s9 =	sadd.s32 $0x1, s8  }
.LBB2_4:
0xc: {  	v2 =	vnsel vm1, $0x0, v2  }
0xd: {  	vm1 =	vgt.s32 v0, $0x0;
	v2 =	vmin.u32 v2, $0x1FFF  }
0xe: {  	v0 =	vnsel vm1, $0x0, v0  }
0xf: {  	v0 =	vmin.u32 v0, $0x1FFF  }
0x10: {  	[tilespmem:s15], [sflag:$0x1] =	stream.indirect_vreg.gather [hbm4b:s3+s10], $0x1, v1, vm0, $0x4038;
	[tilespmem:$0x400] =	vst v63  }
0x11: {  	(ifvalue) =	ssetifvalue $0x7FFFFFFF  }
0x12: {  	[tilespmem:s16], [sflag:$0x1] =	stream.indirect_vreg.gather [hbm4b:s3+s10], $0x1, v2, vm0, $0x4038;
	[tilespmem:$0x400] =	vst v63  }
0x13: {  	s29 =	sadd.s32 $0x10, s16;
	(ifvalue) =	ssetifvalue $0x7FFFFFFF  }
0x14: {  	[tilespmem:s29], [sflag:$0x1] =	stream.indirect_vreg.gather [hbm4b:s3+s10], $0x1, v0, vm0, $0x4038;
	[tilespmem:$0x400] =	vst v63  }
0x15: {  	_ =	swait.ge [sflag:s6], $0x100  }
0x16: {  	s30 =	sshrl.u32 s13, $0x3;
	[sflag:s6] =	ssyncset.done $0x0  }
0x17: {  	s31 =	sand.u32 $0x7, s13;
	s15 =	sadd.s32 s5, s30;
	[sflag:s6] =	ssyncadd.s32 $0xFFFFFF00  }
0x18: {  	[hbm4b:s15+s31] =	stream.linear.scatter [tilespmem:s14], [sflag:$0x3], $0x100, $0x38;
	[tilespmem:$0x400] =	vst v63  }
.LBB2_5:
0x19: {  	s15 =	sadd.s32 $0x2000, s11  }
0x1a: {  	p2 =	sgt.s32 s15, $0x27FF  }
0x1b: {  	s15 =	smov.u32 @p2 s2;
	p2 =	sne.s32 s12, s9  }
.Ltmp1:
0x1c: {  	p1 =	slt.u32 s12, $0x2;
	(pc) =	sbr.rel @!p2 .LBB2_6-.Ltmp1, $4  }
0x1d: {  	s14 =	simm.s32 @!p1 $0x3  }
0x1e: {  	s16 =	sadd.s32 $0x1, s12;
	_ =	swait.ge @!p1 [sflag:s14], $0x100  }
0x1f: {  	s13 =	smov.u32 s11;
	p0 =	por !p0, !p0;
	[sflag:s14] =	ssyncset.done @!p1 $0x0  }
0x20: {  	s12 =	smov.u32 s16;
	s11 =	smov.u32 s15;
	[sflag:s14] =	ssyncadd.s32 @!p1 $0xFFFFFF00  }
.LBB2_1:
0x21: {  	p1 =	sge.u32 s12, s8  }
0x22: {  	s14 =	sxor.u32 @!p1 $0xFFFFFFFF, s12  }
0x23: {  	s31 =	sadd.s32 $0xFFFFFFFF, s12;
	s15 =	sshrl.u32 @!p1 s11, $0x3;
	s14 =	sshll.u32 @!p1 s14, $0x8  }
0x24: {  	s16 =	sand.u32 @!p1 $0x7, s11;
	s15 =	sadd.s32 @!p1 s4, s15;
	s14 =	sand.u32 @!p1 $0x100, s14  }
0x25: {  	[tilespmem:s14], [sflag:$0x2] =	stream.linear.gather @!p1 [hbm4b:s15+s16], $0x100, $0x38;
	[tilespmem:$0x400] =	vst v63  }
0x26: {  	p1 =	sge.u32 s31, s8  }
.Ltmp2:
0x27: {  	_ = 	snop;
	(pc) =	sbr.rel @p1 .LBB2_5-.Ltmp2, $1  }
0x28: {  	_ =	sdelay $0x3  }
0x29: {  	s14 =	simm.s32 $0x1  }
0x2a: {  	_ =	swait.ge [sflag:s7], $0x100;
	s14 =	simm.s32 @!p0 $0x0  }
0x2b: {  	[sflag:s7] =	ssyncset.done $0x0;
	s14 =	sshll.u32 s14, $0x8  }
0x2c: {  	[sflag:s7] =	ssyncadd.s32 $0xFFFFFF00;
	(ifvalue) =	ssetifvalue $0x7FFFFFFF;
	v0 =	vld.msk [tilespmem:s14+$0x0 ss:$0x1], $0xffff;
	_ =	sdelay $0x4  }
0x2d: {  	s15 =	sadd.s32 $0x10, s14;
	vm1 =	vgt.s32 v0, $0x0  }
0x2e: {  	v2 =	vld.msk [tilespmem:s15+$0x0 ss:$0x1], $0xffff;
	v1 =	vnsel vm1, $0x0, v0  }
0x2f: {  	v1 =	vmin.u32 v1, $0x1FFF;
	_ =	sdelay $0x1  }
0x30: {  	s16 =	sshll.u32 s12, $0x8;
	s18 =	simm.s32 $0x20  }
0x31: {  	s16 =	sand.u32 $0x100, s16;
	s17 =	sadd.s32 $0x10, s15;
	s15 =	sor.u32 $0x200, s14  }
0x32: {  	s14 =	sor.u32 $0x200, s16;
	s16 =	sadd.s32 $0x10, s15;
	v0 =	vld.msk [tilespmem:s17+$0x0 ss:$0x1], $0xffff;
	vm1 =	vgt.s32 v2, $0x0;
	(ifvalue) =	ssetifvalue $0x7FFFFFFF  }
.LBB2_3:
0x33: {  	[tilespmem:s15], [sflag:$0x1] =	stream.indirect_vreg.gather [hbm4b:s3+s10], $0x1, v1, vm0, $0x4038;
	[tilespmem:$0x400] =	vst v63  }
0x34: {  	s18 =	sadd.s32 $0x10, s18  }
0x35: {  	v2 =	vnsel vm1, $0x0, v2;
	p1 =	slt.u32 s18, $0xF0  }
.Ltmp3:
0x36: {  	s15 =	smov.u32 s16;
	v1 =	vmin.u32 v2, $0x1FFF;
	(pc) =	sbr.rel @p1 .LBB2_3-.Ltmp3, $3  }
0x37: {  	_ =	sdelay $0x1  }
0x38: {  	s17 =	sadd.s32 $0x10, s17  }
0x39: {  	vm1 =	vgt.s32 v0, $0x0;
	s16 =	sadd.s32 $0x10, s16;
	v2 =	vmov v0;
	(ifvalue) =	ssetifvalue $0x7FFFFFFF;
	v0 =	vld.msk [tilespmem:s17+$0x0 ss:$0x1], $0xffff  }
.Ltmp4:
0x3a: {  	_ = 	snop;
	(pc) =	sbr.rel .LBB2_4-.Ltmp4, $1  }
0x3b: {  	_ =	sdelay $0x3  }
.LBB2_6:
0x3c: {  	_ =	sfence.sel $0x180000  }
0x3d: {  	s2 =	simm.s32 $0x2;
	[bflag:$0x0] =	sbarrier.arrive $0xFFFF  }
0x3e: {  	s30 =	simm.s32 $0x3;
	[sflag:s2] =	ssyncpa.u1 $0x1  }
0x3f: {  	s31 =	simm.s32 $0x1;
	[sflag:s30] =	ssyncpa.u1 $0x1  }
0x40: {  	[sflag:s31] =	ssyncpa.u1 $0x1  }
0x41: {  	p0 =	sne.s32 s1, $0x0;
	_ =	strace $0x9000004A  }
0x42: {  	s0 =	sadd.s32 @!p0 $0x100000, s0;
	[bflag:$0x2] =	sbarrier.arrive $0xFFFF  }
0x43: {  	[sflag:s0] =	ssyncadd.tile.s32 @!p0 $0x1;
	_ =	shalt  }
.Lfunc_end2:
_tile_overlayer_lowered:
.L_overlay_start_2:
0x44: {  	(tag) =	ssettag $0x2  }
0x45: {  	s0 =	rddreg [dreg:$0x0];
	s2 =	stileid.u32  }
0x46: {  	s1 =	rddreg [dreg:$0x1];
	p0 =	sne.s32 s2, $0x0  }
0x47: {  	s3 =	rddreg [dreg:$0x2];
	[bflag:$0x3] =	sbarrier.arrive $0xFFFF;
	s2 =	simm.s32 @!p0 $0x1C01  }
0x48: {  	[timem:s3], [sflag:s2] =	dma.local @!p0 [hbm:s0], s1  }
0x49: {  	s0 =	simm.s32 @!p0 $0x1  }
0x4a: {  	_ =	swait.ge @!p0 [sflag:s0], s1  }
0x4b: {  	s1 =	ssub.s32 @!p0 $0x0, s1;
	[sflag:s0] =	ssyncset.done @!p0 $0x0  }
0x4c: {  	[sflag:s0] =	ssyncadd.s32 @!p0 s1  }
0x4d: {  	[bflag:$0x3] =	sbarrier.arrive $0xFFFF  }
0x4e: {  	_ =	shalt  }

// kernel: gather_offload_async_start
scs
__scs_entry_jumppad:
0x0: {  	(pc) =	sbr.rel $0x88, $3  }
0x1: {  	(tag) =	ssettag $0x0;
	lr =	simm.s32 $0x1  }
0x2: {  	[smem:$0x3F9D] =	sst lr;
	_ =	strace $0xD0000000  }
0x3: {  	_ = 	snop  }
0x4: {  	_ = 	snop  }
0x5: {  	_ = 	snop  }
0x6: {  	_ = 	snop  }
0x7: {  	_ = 	snop  }
__scs_overlays_trampoline_lowered:
0x8: {  	[smem:$0x3FAC] =	sst s0  }
0x9: {  	[smem:$0x3FAD] =	sst s1  }
0xa: {  	[smem:$0x3FAE] =	sst s2  }
0xb: {  	[smem:$0x3FAF] =	sst s3  }
0xc: {  	[smem:$0x3FB0] =	sst s4  }
0xd: {  	[smem:$0x3FB1] =	sst s5  }
0xe: {  	[smem:$0x3FB2] =	sst s6  }
0xf: {  	[smem:$0x3FB3] =	sst s7  }
0x10: {  	[smem:$0x3FB4] =	sst s8  }
0x11: {  	[smem:$0x3FB5] =	sst s9;
	s0 =	simm.s32 @!p0 $0x0  }
0x12: {  	s1 =	sld [smem:$0x3F9B];
	s0 =	simm.s32 @p0 $0x1  }
0x13: {  	[smem:$0x3FB6] =	sst s0;
	s0 =	simm.s32 @!p1 $0x0  }
0x14: {  	s2 =	sld [smem:$0x3F9A];
	s0 =	simm.s32 @p1 $0x1  }
0x15: {  	[smem:$0x3FB7] =	sst s0;
	s0 =	simm.s32 @!p2 $0x0  }
0x16: {  	s3 =	sld [smem:$0x3FDB];
	s0 =	simm.s32 @p2 $0x1  }
0x17: {  	s4 =	simm.s32 $0x1BF5;
	[smem:$0x3FB9] =	sst s0  }
0x18: {  	s0 =	sld [smem:$0x3F9C];
	_ =	swait.ge [sflag:s4], $0x0  }
0x19: {  	s7 =	sld [smem:$0x3F9D]  }
0x1a: {  	s8 =	sadd.s32 $0xFFFFE003, lr  }
0x1b: {  	s9 =	sadd.s32 $0xFFFFFEF7, lr;
	s5 =	simm.s32 $0xFFFFFFFF;
	p2 =	slt.u32 s8, $0xFFFFF086  }
0x1c: {  	p1 =	slt.u32 s9, $0xF7A;
	s5 =	simm.s32 @!p2 $0x0  }
0x1d: {  	s5 =	simm.s32 @p1 $0x1;
	p0 =	seq.s32 s7, s2  }
0x1e: {  	s7 =	smul.u32 @!p0 $0xF7A, s2;
	p2 =	seq.s32 @!p0 s5, $0x0  }
0x1f: {  	s9 =	smul.u32 $0xF7A, s1;
	s8 =	simm.s32 @!p0 $0x1BF5;
	p2 =	por !p2, p0  }
0x20: {  	[sflag:s8] =	ssyncset.s32 @!p0 $0xFFFFF086;
	s6 =	sadd.s32 @!p0 s3, s7;
	s7 =	simm.s32 @!p0 $0x108  }
0x21: {  	s3 =	sadd.s32 s3, s9;
	s6 =	sadd.s32 @!p0 $0x88, s6;
	s7 =	simm.s32 @p2 $0x1082  }
0x22: {  	[simem:s7], [sflag:s8] =	dma.local @!p0 [hbm:s6], $0xF7A  }
0x23: {  	s9 =	sor.u32 $0xD0000000, s2;
	s6 =	simm.s32 $0x108;
	_ =	swait.ge @!p0 [sflag:s8], $0x0  }
0x24: {  	s3 =	sadd.s32 $0x88, s3;
	s6 =	simm.s32 @!p1 $0x1082;
	[sflag:s4] =	ssyncset.s32 $0xFFFFF086  }
0x25: {  	[simem:s6], [sflag:s4] =	dma.local [hbm:s3], $0xF7A  }
0x26: {  	[smem:$0x3F9D] =	sst s1;
	(tag) =	ssettag s2;
	_ =	strace s9  }
0x27: {  	s1 =	sld [smem:$0x3FAD]  }
0x28: {  	s2 =	sld [smem:$0x3FAE]  }
0x29: {  	s4 =	sld [smem:$0x3FB0]  }
0x2a: {  	p0 =	seq.s32 s5, $0x0;
	s5 =	sld [smem:$0x3FB1]  }
0x2b: {  	s6 =	sld [smem:$0x3FB2]  }
0x2c: {  	s7 =	sld [smem:$0x3FB3]  }
0x2d: {  	s3 =	simm.s32 $0x108;
	s8 =	sld [smem:$0x3FB4]  }
0x2e: {  	s3 =	simm.s32 @!p0 $0x1082;
	s9 =	sld [smem:$0x3FB5]  }
0x2f: {  	lr =	sadd.s32 s0, s3;
	s0 =	sld [smem:$0x3FAC]  }
0x30: {  	s3 =	sld [smem:$0x3FAF]  }
0x31: {  	[smem:$0x3FB8] =	sst s10  }
0x32: {  	s10 =	sld [smem:$0x3FB6];
	_ =	sdelay $0x3  }
0x33: {  	p0 =	seq.s32 s10, $0x1;
	s10 =	sld [smem:$0x3FB8];
	_ =	sdelay $0x3  }
0x34: {  	[smem:$0x3FB8] =	sst s10  }
0x35: {  	s10 =	sld [smem:$0x3FB7];
	_ =	sdelay $0x3  }
0x36: {  	p1 =	seq.s32 s10, $0x1;
	s10 =	sld [smem:$0x3FB8];
	_ =	sdelay $0x3  }
0x37: {  	[smem:$0x3FB8] =	sst s10  }
0x38: {  	s10 =	sld [smem:$0x3FB9]  }
0x39: {  	_ = 	snop;
	(pc) =	sbr.ind lr, $3  }
0x3a: {  	_ = 	snop  }
0x3b: {  	_ = 	snop  }
0x3c: {  	p2 =	seq.s32 s10, $0x1;
	s10 =	sld [smem:$0x3FB8]  }
0x3d: {  	_ =	shalt  }
0x3e: {  	_ =	shalt  }
0x3f: {  	_ =	shalt  }
0x40: {  	_ =	shalt  }
0x41: {  	_ =	shalt  }
0x42: {  	_ =	shalt  }
0x43: {  	_ =	shalt  }
0x44: {  	_ =	shalt  }
0x45: {  	_ =	shalt  }
0x46: {  	_ =	shalt  }
0x47: {  	_ =	shalt  }
0x48: {  	_ =	shalt  }
0x49: {  	_ =	shalt  }
0x4a: {  	_ =	shalt  }
0x4b: {  	_ =	shalt  }
0x4c: {  	_ =	shalt  }
0x4d: {  	_ =	shalt  }
0x4e: {  	_ =	shalt  }
0x4f: {  	_ =	shalt  }
0x50: {  	_ =	shalt  }
0x51: {  	_ =	shalt  }
0x52: {  	_ =	shalt  }
0x53: {  	_ =	shalt  }
0x54: {  	_ =	shalt  }
0x55: {  	_ =	shalt  }
0x56: {  	_ =	shalt  }
0x57: {  	_ =	shalt  }
0x58: {  	_ =	shalt  }
0x59: {  	_ =	shalt  }
0x5a: {  	_ =	shalt  }
0x5b: {  	_ =	shalt  }
0x5c: {  	_ =	shalt  }
0x5d: {  	_ =	shalt  }
0x5e: {  	_ =	shalt  }
0x5f: {  	_ =	shalt  }
0x60: {  	_ =	shalt  }
0x61: {  	_ =	shalt  }
0x62: {  	_ =	shalt  }
0x63: {  	_ =	shalt  }
0x64: {  	_ =	shalt  }
0x65: {  	_ =	shalt  }
0x66: {  	_ =	shalt  }
0x67: {  	_ =	shalt  }
0x68: {  	_ =	shalt  }
0x69: {  	_ =	shalt  }
0x6a: {  	_ =	shalt  }
0x6b: {  	_ =	shalt  }
0x6c: {  	_ =	shalt  }
0x6d: {  	_ =	shalt  }
0x6e: {  	_ =	shalt  }
0x6f: {  	_ =	shalt  }
0x70: {  	_ =	shalt  }
0x71: {  	_ =	shalt  }
0x72: {  	_ =	shalt  }
0x73: {  	_ =	shalt  }
0x74: {  	_ =	shalt  }
0x75: {  	_ =	shalt  }
0x76: {  	_ =	shalt  }
0x77: {  	_ =	shalt  }
0x78: {  	_ =	shalt  }
0x79: {  	_ =	shalt  }
0x7a: {  	_ =	shalt  }
0x7b: {  	_ =	shalt  }
0x7c: {  	_ =	shalt  }
0x7d: {  	_ =	shalt  }
0x7e: {  	_ =	shalt  }
0x7f: {  	_ =	shalt  }
0x80: {  	_ =	shalt  }
0x81: {  	_ =	shalt  }
0x82: {  	_ =	shalt  }
0x83: {  	_ =	shalt  }
0x84: {  	_ =	shalt  }
0x85: {  	_ =	shalt  }
0x86: {  	_ =	shalt  }
0x87: {  	_ =	shalt  }
.Lfunc_end0:
.L_simem_size_0:
called_computation_lowered:
.L_overlay_start_0:
0x88: {  	s2 =	sld [smem:$0x3FD9]  }
0x89: {  	s3 =	sld [smem:$0x3FFE];
	_ =	sdelay $0x1  }
0x8a: {  	s1 =	srdreg.scid  }
0x8b: {  	s0 =	sand.u32 $0x1, s1  }
0x8c: {  	s17 =	sshll.u32 s0, $0xA;
	s2 =	sadd.s32 s3, s2  }
0x8d: {  	s2 =	sadd.s32 s2, s17  }
0x8e: {  	[smem:$0x3FC4] =	sst s2  }
0x8f: {  	_ = 	snop  }
0x90: {  	s2 =	sld [smem:$0x3FD0];
	(tm) =	ssettm $0x1  }
0x91: {  	s18 =	sld [smem:$0x3FFB];
	_ =	sdelay $0x3  }
0x92: {  	_ =	strace s18  }
0x93: {  	s3 =	sld [smem:$0x3FFC];
	_ =	sdelay $0x3  }
0x94: {  	_ =	strace s3  }
0x95: {  	s3 =	sld [smem:$0x3FFD];
	_ =	sdelay $0x3  }
0x96: {  	_ =	strace s3  }
0x97: {  	_ =	strace $0x8FFFFFFF  }
0x98: {  	s19 =	sld [smem:$0x3FDB];
	_ =	sdelay $0x1  }
0x99: {  	s4 =	simm.s32 $_scs_section_size  }
0x9a: {  	s5 =	simm.s32 $_size__tile_overlayer_lowered;
	s6 =	simm.s32 $_tile_overlayer_lowered  }
0x9b: {  	s22 =	simm.s32 $0x1BFF;
	s21 =	sshll.u32 s6, $0x1;
	s3 =	sadd.s32 s4, s19  }
0x9c: {  	s7 =	simm.s32 $0x0;
	s20 =	sshll.u32 s5, $0x1;
	s5 =	sadd.s32 s21, s3  }
0x9d: {  	[timem:s7], [sflag:s22] =	dma.local [hbm:s5], s20  }
0x9e: {  	_ =	swait.ge [sflag:s22], s20  }
0x9f: {  	s4 =	ssub.s32 $0x0, s20;
	[sflag:s22] =	ssyncset.done $0x0  }
0xa0: {  	[sflag:s22] =	ssyncadd.s32 s4;
	_ =	sdelay $0x1  }
0xa1: {  	s23 =	simm.s32 $0x1B8B  }
0xa2: {  	_ =	swait.ge [sflag:s23], $0x1  }
0xa3: {  	[sflag:s23] =	ssyncset.done $0x0  }
0xa4: {  	s25 =	simm.s32 $0x1B8E;
	s24 =	sld [smem:$0x3FFE];
	[sflag:s23] =	ssyncadd.s32 $0xFFFFFFFF  }
0xa5: {  	s26 =	simm.s32 $execute0_lowered;
	[smem:$0x3FD2] =	sst s25  }
0xa6: {  	s5 =	sshll.u32 s26, $0x1;
	_ =	strace $0x80000046;
	[dreg:$0x1] =	wrdreg $0xFFFFFFFF  }
0xa7: {  	s28 =	simm.s32 $_size_execute0_lowered;
	s3 =	sadd.s32 s3, s5;
	[dreg:$0x0] =	wrdreg $0x0  }
0xa8: {  	s5 =	sshll.u32 s28, $0x1;
	[dreg:$0x2] =	wrdreg s3  }
0xa9: {  	[dreg:$0x3] =	wrdreg s5  }
0xaa: {  	[dreg:$0x4] =	wrdreg $0xC0  }
0xab: {  	_ =	task [dreg:s7], $0x5FFFF  }
0xac: {  	[dreg:$0x1] =	wrdreg $0xFFFFFFFF  }
0xad: {  	[dreg:$0x0] =	wrdreg $0x60  }
0xae: {  	[dreg:$0x2] =	wrdreg s24  }
0xaf: {  	[dreg:$0x3] =	wrdreg s2  }
0xb0: {  	[dreg:$0x4] =	wrdreg $0x9  }
0xb1: {  	_ =	task.clear_ibuf [dreg:s7], $0x5FFFF;
	_ =	strace $0x90000046  }
0xb2: {  	s29 =	simm.s32 $0x9;
	_ =	strace $0x80000048  }
0xb3: {  	_ =	swait.ge [sflag:s29], $0x1  }
0xb4: {  	[sflag:s29] =	ssyncadd.s32 $0xFFFFFFFF  }
0xb5: {  	_ =	strace $0x90000048  }
0xb6: {  	_ =	sfence  }
0xb7: {  	s30 =	sld [smem:$0x0];
	_ =	sdelay $0x2  }
0xb8: {  	s31 =	sshll.u32 s1, $0xD;
	s1 =	sshrl.u32 s1, $0x2  }
0xb9: {  	s3 =	sand.u32 $0x4000, s31;
	s1 =	sadd.s32 s1, s30  }
0xba: {  	s0 =	sor.u32 s3, s0;
	s1 =	sshll.u32 s1, $0x11  }
0xbb: {  	s0 =	sor.u32 s1, s0  }
0xbc: {  	s0 =	sadd.s32 $0x8F2B, s0  }
0xbd: {  	[sflag:s0] =	ssyncadd.remote.s32 $0x1  }
0xbe: {  	_ =	sfence.sel $0xFFFF  }
0xbf: {  	[dreg:$0x0] =	wrdreg $0xFFFFFFFF;
	(pc) =	sbr.abs _section_cstart, $3  }
0xc0: {  	[dreg:$0x1] =	wrdreg $0xFFFFFFFF  }
0xc1: {  	_ =	task.clear_ibuf [dreg:s7], $0x2FFFF;
	_ =	strace $0x9FFFFFFF  }
0xc2: {  	(tm) =	ssettm $0x7FFFFFFF  }
0xc3: {  	_ =	shalt  }
tec
execute0_lowered:
.L_overlay_start_1:
0x0: {  	(tag) =	ssettag $0x1  }
0x1: {  	s1 =	srdreg.scid;
	s5 =	rddreg [dreg:$0x0]  }
0x2: {  	s0 =	stileid.u32;
	s2 =	rddreg [dreg:$0x1];
	s6 =	simm.s32 $0x1  }
0x3: {  	s9 =	simm.s32 $0x1;
	s10 =	simm.s32 $0x3;
	s1 =	sshll.u32 s1, $0x8  }
0x4: {  	s13 =	simm.s32 $0x0;
	s3 =	sshll.u32 s0, $0x9;
	s4 =	sand.u32 $0x100, s1  }
0x5: {  	s12 =	simm.s32 $0x0;
	s1 =	rddreg [dreg:$0x2];
	s3 =	sor.u32 s3, s4  }
0x6: {  	_ =	strace $0x80000047;
	s4 =	sadd.s32 $0x1200, s5;
	s8 =	ssub.s32 $0x2800, s3  }
.Ltmp0:
0x7: {  	s5 =	sadd.s32 $0x400, s5;
	s7 =	sand.u32 $0x1F00, s8;
	(pc) =	sbr.rel .LBB2_1-.Ltmp0, $4  }
0x8: {  	[sflag:s6] =	ssyncpa.u1 $0x0;
	s11 =	smov.u32 s3;
	p0 =	sne.s32 s7, $0x0  }
0x9: {  	s8 =	sshrl.u32 s8, $0xD;
	s7 =	simm.s32 $0x2;
	s9 =	simm.s32 @!p0 $0x0  }
0xa: {  	[sflag:s7] =	ssyncpa.u1 $0x0;
	p0 =	por $0x0, $0x0;
	s8 =	sadd.s32 s9, s8  }
0xb: {  	vm0 =	vmmov $0xffff;
	[sflag:s10] =	ssyncpa.u1 $0x0;
	s10 =	simm.s32 $0x0;
	s9 =	sadd.s32 $0x1, s8  }
.LBB2_4:
0xc: {  	v2 =	vnsel vm1, $0x0, v2  }
0xd: {  	vm1 =	vgt.s32 v0, $0x0;
	v2 =	vmin.u32 v2, $0x1FFF  }
0xe: {  	v0 =	vnsel vm1, $0x0, v0  }
0xf: {  	v0 =	vmin.u32 v0, $0x1FFF  }
0x10: {  	[tilespmem:s15], [sflag:$0x1] =	stream.indirect_vreg.gather [hbm4b:s4+s10], $0x1, v1, vm0, $0x4038;
	[tilespmem:$0x400] =	vst v63  }
0x11: {  	(ifvalue) =	ssetifvalue $0x7FFFFFFF  }
0x12: {  	[tilespmem:s16], [sflag:$0x1] =	stream.indirect_vreg.gather [hbm4b:s4+s10], $0x1, v2, vm0, $0x4038;
	[tilespmem:$0x400] =	vst v63  }
0x13: {  	s29 =	sadd.s32 $0x10, s16;
	(ifvalue) =	ssetifvalue $0x7FFFFFFF  }
0x14: {  	[tilespmem:s29], [sflag:$0x1] =	stream.indirect_vreg.gather [hbm4b:s4+s10], $0x1, v0, vm0, $0x4038;
	[tilespmem:$0x400] =	vst v63  }
0x15: {  	_ =	swait.ge [sflag:s6], $0x100  }
0x16: {  	s30 =	sshrl.u32 s13, $0x3;
	[sflag:s6] =	ssyncset.done $0x0  }
0x17: {  	s31 =	sand.u32 $0x7, s13;
	s15 =	sadd.s32 s5, s30;
	[sflag:s6] =	ssyncadd.s32 $0xFFFFFF00  }
0x18: {  	[hbm4b:s15+s31] =	stream.linear.scatter [tilespmem:s14], [sflag:$0x3], $0x100, $0x38;
	[tilespmem:$0x400] =	vst v63  }
.LBB2_5:
0x19: {  	s15 =	sadd.s32 $0x2000, s11  }
0x1a: {  	p2 =	sgt.s32 s15, $0x27FF  }
0x1b: {  	s15 =	smov.u32 @p2 s3;
	p2 =	sne.s32 s12, s9  }
.Ltmp1:
0x1c: {  	p1 =	slt.u32 s12, $0x2;
	(pc) =	sbr.rel @!p2 .LBB2_6-.Ltmp1, $4  }
0x1d: {  	s14 =	simm.s32 @!p1 $0x3  }
0x1e: {  	s16 =	sadd.s32 $0x1, s12;
	_ =	swait.ge @!p1 [sflag:s14], $0x100  }
0x1f: {  	s13 =	smov.u32 s11;
	p0 =	por !p0, !p0;
	[sflag:s14] =	ssyncset.done @!p1 $0x0  }
0x20: {  	s12 =	smov.u32 s16;
	s11 =	smov.u32 s15;
	[sflag:s14] =	ssyncadd.s32 @!p1 $0xFFFFFF00  }
.LBB2_1:
0x21: {  	p1 =	sge.u32 s12, s8  }
0x22: {  	s14 =	sxor.u32 @!p1 $0xFFFFFFFF, s12  }
0x23: {  	s31 =	sadd.s32 $0xFFFFFFFF, s12;
	s15 =	sshrl.u32 @!p1 s11, $0x3;
	s14 =	sshll.u32 @!p1 s14, $0x8  }
0x24: {  	s16 =	sand.u32 @!p1 $0x7, s11;
	s15 =	sadd.s32 @!p1 s2, s15;
	s14 =	sand.u32 @!p1 $0x100, s14  }
0x25: {  	[tilespmem:s14], [sflag:$0x2] =	stream.linear.gather @!p1 [hbm4b:s15+s16], $0x100, $0x38;
	[tilespmem:$0x400] =	vst v63  }
0x26: {  	p1 =	sge.u32 s31, s8  }
.Ltmp2:
0x27: {  	_ = 	snop;
	(pc) =	sbr.rel @p1 .LBB2_5-.Ltmp2, $1  }
0x28: {  	_ =	sdelay $0x3  }
0x29: {  	s14 =	simm.s32 $0x1  }
0x2a: {  	_ =	swait.ge [sflag:s7], $0x100;
	s14 =	simm.s32 @!p0 $0x0  }
0x2b: {  	[sflag:s7] =	ssyncset.done $0x0;
	s14 =	sshll.u32 s14, $0x8  }
0x2c: {  	[sflag:s7] =	ssyncadd.s32 $0xFFFFFF00;
	(ifvalue) =	ssetifvalue $0x7FFFFFFF;
	v0 =	vld.msk [tilespmem:s14+$0x0 ss:$0x1], $0xffff;
	_ =	sdelay $0x4  }
0x2d: {  	s15 =	sadd.s32 $0x10, s14;
	vm1 =	vgt.s32 v0, $0x0  }
0x2e: {  	v2 =	vld.msk [tilespmem:s15+$0x0 ss:$0x1], $0xffff;
	v1 =	vnsel vm1, $0x0, v0  }
0x2f: {  	v1 =	vmin.u32 v1, $0x1FFF;
	_ =	sdelay $0x1  }
0x30: {  	s16 =	sshll.u32 s12, $0x8;
	s18 =	simm.s32 $0x20  }
0x31: {  	s16 =	sand.u32 $0x100, s16;
	s17 =	sadd.s32 $0x10, s15;
	s15 =	sor.u32 $0x200, s14  }
0x32: {  	s14 =	sor.u32 $0x200, s16;
	s16 =	sadd.s32 $0x10, s15;
	v0 =	vld.msk [tilespmem:s17+$0x0 ss:$0x1], $0xffff;
	vm1 =	vgt.s32 v2, $0x0;
	(ifvalue) =	ssetifvalue $0x7FFFFFFF  }
.LBB2_3:
0x33: {  	[tilespmem:s15], [sflag:$0x1] =	stream.indirect_vreg.gather [hbm4b:s4+s10], $0x1, v1, vm0, $0x4038;
	[tilespmem:$0x400] =	vst v63  }
0x34: {  	s18 =	sadd.s32 $0x10, s18  }
0x35: {  	v2 =	vnsel vm1, $0x0, v2;
	p1 =	slt.u32 s18, $0xF0  }
.Ltmp3:
0x36: {  	s15 =	smov.u32 s16;
	v1 =	vmin.u32 v2, $0x1FFF;
	(pc) =	sbr.rel @p1 .LBB2_3-.Ltmp3, $3  }
0x37: {  	_ =	sdelay $0x1  }
0x38: {  	s17 =	sadd.s32 $0x10, s17  }
0x39: {  	vm1 =	vgt.s32 v0, $0x0;
	s16 =	sadd.s32 $0x10, s16;
	v2 =	vmov v0;
	(ifvalue) =	ssetifvalue $0x7FFFFFFF;
	v0 =	vld.msk [tilespmem:s17+$0x0 ss:$0x1], $0xffff  }
.Ltmp4:
0x3a: {  	_ = 	snop;
	(pc) =	sbr.rel .LBB2_4-.Ltmp4, $1  }
0x3b: {  	_ =	sdelay $0x3  }
.LBB2_6:
0x3c: {  	_ =	sfence.sel $0x180000  }
0x3d: {  	s2 =	simm.s32 $0x2;
	[bflag:$0x0] =	sbarrier.arrive $0xFFFF  }
0x3e: {  	s30 =	simm.s32 $0x3;
	[sflag:s2] =	ssyncpa.u1 $0x1  }
0x3f: {  	s31 =	simm.s32 $0x1;
	[sflag:s30] =	ssyncpa.u1 $0x1  }
0x40: {  	[sflag:s31] =	ssyncpa.u1 $0x1  }
0x41: {  	p0 =	sne.s32 s0, $0x0;
	_ =	strace $0x90000047  }
0x42: {  	s0 =	sadd.s32 @!p0 $0x100000, s1;
	[bflag:$0x2] =	sbarrier.arrive $0xFFFF  }
0x43: {  	[sflag:s0] =	ssyncadd.tile.s32 @!p0 $0x1;
	_ =	shalt  }
.Lfunc_end2:
_tile_overlayer_lowered:
.L_overlay_start_2:
0x44: {  	(tag) =	ssettag $0x2  }
0x45: {  	s0 =	rddreg [dreg:$0x0];
	s2 =	stileid.u32  }
0x46: {  	s1 =	rddreg [dreg:$0x1];
	p0 =	sne.s32 s2, $0x0  }
0x47: {  	s3 =	rddreg [dreg:$0x2];
	[bflag:$0x3] =	sbarrier.arrive $0xFFFF;
	s2 =	simm.s32 @!p0 $0x1C01  }
0x48: {  	[timem:s3], [sflag:s2] =	dma.local @!p0 [hbm:s0], s1  }
0x49: {  	s0 =	simm.s32 @!p0 $0x1  }
0x4a: {  	_ =	swait.ge @!p0 [sflag:s0], s1  }
0x4b: {  	s1 =	ssub.s32 @!p0 $0x0, s1;
	[sflag:s0] =	ssyncset.done @!p0 $0x0  }
0x4c: {  	[sflag:s0] =	ssyncadd.s32 @!p0 s1  }
0x4d: {  	[bflag:$0x3] =	sbarrier.arrive $0xFFFF  }
0x4e: {  	_ =	shalt  }

// kernel: kernel.4.cloned.1.call-start
scs
__scs_entry_jumppad:
0x0: {  	(pc) =	sbr.rel $0x88, $3  }
0x1: {  	(tag) =	ssettag $0x0;
	lr =	simm.s32 $0x1  }
0x2: {  	[smem:$0x3F9D] =	sst lr;
	_ =	strace $0xD0000000  }
0x3: {  	_ = 	snop  }
0x4: {  	_ = 	snop  }
0x5: {  	_ = 	snop  }
0x6: {  	_ = 	snop  }
0x7: {  	_ = 	snop  }
__scs_overlays_trampoline_lowered:
0x8: {  	[smem:$0x3FAC] =	sst s0  }
0x9: {  	[smem:$0x3FAD] =	sst s1  }
0xa: {  	[smem:$0x3FAE] =	sst s2  }
0xb: {  	[smem:$0x3FAF] =	sst s3  }
0xc: {  	[smem:$0x3FB0] =	sst s4  }
0xd: {  	[smem:$0x3FB1] =	sst s5  }
0xe: {  	[smem:$0x3FB2] =	sst s6  }
0xf: {  	[smem:$0x3FB3] =	sst s7  }
0x10: {  	[smem:$0x3FB4] =	sst s8  }
0x11: {  	[smem:$0x3FB5] =	sst s9;
	s0 =	simm.s32 @!p0 $0x0  }
0x12: {  	s1 =	sld [smem:$0x3F9B];
	s0 =	simm.s32 @p0 $0x1  }
0x13: {  	[smem:$0x3FB6] =	sst s0;
	s0 =	simm.s32 @!p1 $0x0  }
0x14: {  	s2 =	sld [smem:$0x3F9A];
	s0 =	simm.s32 @p1 $0x1  }
0x15: {  	[smem:$0x3FB7] =	sst s0;
	s0 =	simm.s32 @!p2 $0x0  }
0x16: {  	s3 =	sld [smem:$0x3FDB];
	s0 =	simm.s32 @p2 $0x1  }
0x17: {  	s4 =	simm.s32 $0x1BF5;
	[smem:$0x3FB9] =	sst s0  }
0x18: {  	s0 =	sld [smem:$0x3F9C];
	_ =	swait.ge [sflag:s4], $0x0  }
0x19: {  	s7 =	sld [smem:$0x3F9D]  }
0x1a: {  	s8 =	sadd.s32 $0xFFFFE003, lr  }
0x1b: {  	s9 =	sadd.s32 $0xFFFFFEF7, lr;
	s5 =	simm.s32 $0xFFFFFFFF;
	p2 =	slt.u32 s8, $0xFFFFF086  }
0x1c: {  	p1 =	slt.u32 s9, $0xF7A;
	s5 =	simm.s32 @!p2 $0x0  }
0x1d: {  	s5 =	simm.s32 @p1 $0x1;
	p0 =	seq.s32 s7, s2  }
0x1e: {  	s7 =	smul.u32 @!p0 $0xF7A, s2;
	p2 =	seq.s32 @!p0 s5, $0x0  }
0x1f: {  	s9 =	smul.u32 $0xF7A, s1;
	s8 =	simm.s32 @!p0 $0x1BF5;
	p2 =	por !p2, p0  }
0x20: {  	[sflag:s8] =	ssyncset.s32 @!p0 $0xFFFFF086;
	s6 =	sadd.s32 @!p0 s3, s7;
	s7 =	simm.s32 @!p0 $0x108  }
0x21: {  	s3 =	sadd.s32 s3, s9;
	s6 =	sadd.s32 @!p0 $0x88, s6;
	s7 =	simm.s32 @p2 $0x1082  }
0x22: {  	[simem:s7], [sflag:s8] =	dma.local @!p0 [hbm:s6], $0xF7A  }
0x23: {  	s9 =	sor.u32 $0xD0000000, s2;
	s6 =	simm.s32 $0x108;
	_ =	swait.ge @!p0 [sflag:s8], $0x0  }
0x24: {  	s3 =	sadd.s32 $0x88, s3;
	s6 =	simm.s32 @!p1 $0x1082;
	[sflag:s4] =	ssyncset.s32 $0xFFFFF086  }
0x25: {  	[simem:s6], [sflag:s4] =	dma.local [hbm:s3], $0xF7A  }
0x26: {  	[smem:$0x3F9D] =	sst s1;
	(tag) =	ssettag s2;
	_ =	strace s9  }
0x27: {  	s1 =	sld [smem:$0x3FAD]  }
0x28: {  	s2 =	sld [smem:$0x3FAE]  }
0x29: {  	s4 =	sld [smem:$0x3FB0]  }
0x2a: {  	p0 =	seq.s32 s5, $0x0;
	s5 =	sld [smem:$0x3FB1]  }
0x2b: {  	s6 =	sld [smem:$0x3FB2]  }
0x2c: {  	s7 =	sld [smem:$0x3FB3]  }
0x2d: {  	s3 =	simm.s32 $0x108;
	s8 =	sld [smem:$0x3FB4]  }
0x2e: {  	s3 =	simm.s32 @!p0 $0x1082;
	s9 =	sld [smem:$0x3FB5]  }
0x2f: {  	lr =	sadd.s32 s0, s3;
	s0 =	sld [smem:$0x3FAC]  }
0x30: {  	s3 =	sld [smem:$0x3FAF]  }
0x31: {  	[smem:$0x3FB8] =	sst s10  }
0x32: {  	s10 =	sld [smem:$0x3FB6];
	_ =	sdelay $0x3  }
0x33: {  	p0 =	seq.s32 s10, $0x1;
	s10 =	sld [smem:$0x3FB8];
	_ =	sdelay $0x3  }
0x34: {  	[smem:$0x3FB8] =	sst s10  }
0x35: {  	s10 =	sld [smem:$0x3FB7];
	_ =	sdelay $0x3  }
0x36: {  	p1 =	seq.s32 s10, $0x1;
	s10 =	sld [smem:$0x3FB8];
	_ =	sdelay $0x3  }
0x37: {  	[smem:$0x3FB8] =	sst s10  }
0x38: {  	s10 =	sld [smem:$0x3FB9]  }
0x39: {  	_ = 	snop;
	(pc) =	sbr.ind lr, $3  }
0x3a: {  	_ = 	snop  }
0x3b: {  	_ = 	snop  }
0x3c: {  	p2 =	seq.s32 s10, $0x1;
	s10 =	sld [smem:$0x3FB8]  }
0x3d: {  	_ =	shalt  }
0x3e: {  	_ =	shalt  }
0x3f: {  	_ =	shalt  }
0x40: {  	_ =	shalt  }
0x41: {  	_ =	shalt  }
0x42: {  	_ =	shalt  }
0x43: {  	_ =	shalt  }
0x44: {  	_ =	shalt  }
0x45: {  	_ =	shalt  }
0x46: {  	_ =	shalt  }
0x47: {  	_ =	shalt  }
0x48: {  	_ =	shalt  }
0x49: {  	_ =	shalt  }
0x4a: {  	_ =	shalt  }
0x4b: {  	_ =	shalt  }
0x4c: {  	_ =	shalt  }
0x4d: {  	_ =	shalt  }
0x4e: {  	_ =	shalt  }
0x4f: {  	_ =	shalt  }
0x50: {  	_ =	shalt  }
0x51: {  	_ =	shalt  }
0x52: {  	_ =	shalt  }
0x53: {  	_ =	shalt  }
0x54: {  	_ =	shalt  }
0x55: {  	_ =	shalt  }
0x56: {  	_ =	shalt  }
0x57: {  	_ =	shalt  }
0x58: {  	_ =	shalt  }
0x59: {  	_ =	shalt  }
0x5a: {  	_ =	shalt  }
0x5b: {  	_ =	shalt  }
0x5c: {  	_ =	shalt  }
0x5d: {  	_ =	shalt  }
0x5e: {  	_ =	shalt  }
0x5f: {  	_ =	shalt  }
0x60: {  	_ =	shalt  }
0x61: {  	_ =	shalt  }
0x62: {  	_ =	shalt  }
0x63: {  	_ =	shalt  }
0x64: {  	_ =	shalt  }
0x65: {  	_ =	shalt  }
0x66: {  	_ =	shalt  }
0x67: {  	_ =	shalt  }
0x68: {  	_ =	shalt  }
0x69: {  	_ =	shalt  }
0x6a: {  	_ =	shalt  }
0x6b: {  	_ =	shalt  }
0x6c: {  	_ =	shalt  }
0x6d: {  	_ =	shalt  }
0x6e: {  	_ =	shalt  }
0x6f: {  	_ =	shalt  }
0x70: {  	_ =	shalt  }
0x71: {  	_ =	shalt  }
0x72: {  	_ =	shalt  }
0x73: {  	_ =	shalt  }
0x74: {  	_ =	shalt  }
0x75: {  	_ =	shalt  }
0x76: {  	_ =	shalt  }
0x77: {  	_ =	shalt  }
0x78: {  	_ =	shalt  }
0x79: {  	_ =	shalt  }
0x7a: {  	_ =	shalt  }
0x7b: {  	_ =	shalt  }
0x7c: {  	_ =	shalt  }
0x7d: {  	_ =	shalt  }
0x7e: {  	_ =	shalt  }
0x7f: {  	_ =	shalt  }
0x80: {  	_ =	shalt  }
0x81: {  	_ =	shalt  }
0x82: {  	_ =	shalt  }
0x83: {  	_ =	shalt  }
0x84: {  	_ =	shalt  }
0x85: {  	_ =	shalt  }
0x86: {  	_ =	shalt  }
0x87: {  	_ =	shalt  }
.Lfunc_end0:
.L_simem_size_0:
called_computation.2_lowered:
.L_overlay_start_0:
0x88: {  	s2 =	sld [smem:$0x3FD9]  }
0x89: {  	s3 =	sld [smem:$0x3FFE];
	_ =	sdelay $0x1  }
0x8a: {  	s1 =	srdreg.scid  }
0x8b: {  	s0 =	sand.u32 $0x1, s1  }
0x8c: {  	s17 =	sshll.u32 s0, $0xA;
	s2 =	sadd.s32 s3, s2  }
0x8d: {  	s2 =	sadd.s32 s2, s17  }
0x8e: {  	[smem:$0x3FC4] =	sst s2  }
0x8f: {  	_ = 	snop  }
0x90: {  	s2 =	sld [smem:$0x3FD0];
	(tm) =	ssettm $0x1  }
0x91: {  	s18 =	sld [smem:$0x3FFB];
	_ =	sdelay $0x3  }
0x92: {  	_ =	strace s18  }
0x93: {  	s3 =	sld [smem:$0x3FFC];
	_ =	sdelay $0x3  }
0x94: {  	_ =	strace s3  }
0x95: {  	s3 =	sld [smem:$0x3FFD];
	_ =	sdelay $0x3  }
0x96: {  	_ =	strace s3  }
0x97: {  	_ =	strace $0x8FFFFFFF  }
0x98: {  	s19 =	sld [smem:$0x3FDB];
	_ =	sdelay $0x1  }
0x99: {  	s4 =	simm.s32 $_scs_section_size  }
0x9a: {  	s5 =	simm.s32 $_size__tile_overlayer_lowered;
	s6 =	simm.s32 $_tile_overlayer_lowered  }
0x9b: {  	s22 =	simm.s32 $0x1BFF;
	s21 =	sshll.u32 s6, $0x1;
	s3 =	sadd.s32 s4, s19  }
0x9c: {  	s7 =	simm.s32 $0x0;
	s20 =	sshll.u32 s5, $0x1;
	s5 =	sadd.s32 s21, s3  }
0x9d: {  	[timem:s7], [sflag:s22] =	dma.local [hbm:s5], s20  }
0x9e: {  	_ =	swait.ge [sflag:s22], s20  }
0x9f: {  	s4 =	ssub.s32 $0x0, s20;
	[sflag:s22] =	ssyncset.done $0x0  }
0xa0: {  	[sflag:s22] =	ssyncadd.s32 s4;
	_ =	sdelay $0x1  }
0xa1: {  	s23 =	simm.s32 $0x1B8B  }
0xa2: {  	_ =	swait.ge [sflag:s23], $0x1  }
0xa3: {  	[sflag:s23] =	ssyncset.done $0x0  }
0xa4: {  	s25 =	simm.s32 $0x1B8E;
	s24 =	sld [smem:$0x3FFE];
	[sflag:s23] =	ssyncadd.s32 $0xFFFFFFFF  }
0xa5: {  	s26 =	simm.s32 $execute0_lowered;
	[smem:$0x3FD2] =	sst s25  }
0xa6: {  	s5 =	sshll.u32 s26, $0x1;
	_ =	strace $0x8000004C;
	[dreg:$0x1] =	wrdreg $0xFFFFFFFF  }
0xa7: {  	s28 =	simm.s32 $_size_execute0_lowered;
	s3 =	sadd.s32 s3, s5;
	[dreg:$0x0] =	wrdreg $0x0  }
0xa8: {  	s5 =	sshll.u32 s28, $0x1;
	[dreg:$0x2] =	wrdreg s3  }
0xa9: {  	[dreg:$0x3] =	wrdreg s5  }
0xaa: {  	[dreg:$0x4] =	wrdreg $0xC0  }
0xab: {  	_ =	task [dreg:s7], $0x5FFFF  }
0xac: {  	[dreg:$0x1] =	wrdreg $0xFFFFFFFF  }
0xad: {  	[dreg:$0x0] =	wrdreg $0x60  }
0xae: {  	[dreg:$0x2] =	wrdreg s24  }
0xaf: {  	[dreg:$0x3] =	wrdreg s2  }
0xb0: {  	[dreg:$0x4] =	wrdreg $0x9  }
0xb1: {  	_ =	task.clear_ibuf [dreg:s7], $0x5FFFF;
	_ =	strace $0x9000004C  }
0xb2: {  	s29 =	simm.s32 $0x9;
	_ =	strace $0x8000004E  }
0xb3: {  	_ =	swait.ge [sflag:s29], $0x1  }
0xb4: {  	[sflag:s29] =	ssyncadd.s32 $0xFFFFFFFF  }
0xb5: {  	_ =	strace $0x9000004E  }
0xb6: {  	_ =	sfence  }
0xb7: {  	s30 =	sld [smem:$0x0];
	_ =	sdelay $0x2  }
0xb8: {  	s31 =	sshll.u32 s1, $0xD;
	s1 =	sshrl.u32 s1, $0x2  }
0xb9: {  	s3 =	sand.u32 $0x4000, s31;
	s1 =	sadd.s32 s1, s30  }
0xba: {  	s0 =	sor.u32 s3, s0;
	s1 =	sshll.u32 s1, $0x11  }
0xbb: {  	s0 =	sor.u32 s1, s0  }
0xbc: {  	s0 =	sadd.s32 $0x8F2B, s0  }
0xbd: {  	[sflag:s0] =	ssyncadd.remote.s32 $0x1  }
0xbe: {  	_ =	sfence.sel $0xFFFF  }
0xbf: {  	[dreg:$0x0] =	wrdreg $0xFFFFFFFF;
	(pc) =	sbr.abs _section_cstart, $3  }
0xc0: {  	[dreg:$0x1] =	wrdreg $0xFFFFFFFF  }
0xc1: {  	_ =	task.clear_ibuf [dreg:s7], $0x2FFFF;
	_ =	strace $0x9FFFFFFF  }
0xc2: {  	(tm) =	ssettm $0x7FFFFFFF  }
0xc3: {  	_ =	shalt  }
tec
execute0_lowered:
.L_overlay_start_1:
0x0: {  	(tag) =	ssettag $0x1  }
0x1: {  	s0 =	rddreg [dreg:$0x0]  }
0x2: {  	s1 =	rddreg [dreg:$0x1]  }
0x3: {  	s2 =	srdreg.scid;
	s3 =	stileid.u32;
	s4 =	simm.s32 $0x0  }
0x4: {  	s14 =	simm.s32 $0x2;
	s19 =	simm.s32 $0x2100;
	s20 =	simm.s32 $0x2900  }
0x5: {  	s21 =	simm.s32 $0x3100;
	s22 =	simm.s32 $0x3900;
	s23 =	simm.s32 $0x4100  }
0x6: {  	s28 =	simm.s32 $0x6100;
	s29 =	simm.s32 $0x6900;
	s30 =	simm.s32 $0x7100  }
0x7: {  	s31 =	simm.s32 $0x7900;
	s2 =	sand.u32 $0x1, s2;
	s3 =	sshll.u32 s3, $0x1  }
0x8: {  	[smem:$0x7FF] =	sst s4;
	s7 =	sadd.s32 $0x1B00, s0;
	s8 =	sadd.s32 $0x1C00, s0  }
0x9: {  	s9 =	sadd.s32 $0x1D00, s0;
	s10 =	sadd.s32 $0x1E00, s0;
	s11 =	sadd.s32 $0x1F00, s0  }
0xa: {  	s24 =	ssub.s32 $0x2, s2;
	s2 =	sor.u32 s2, s3;
	_ =	strace $0x8000004D  }
0xb: {  	s3 =	sadd.s32 $0x1800, s0;
	s5 =	sshrl.u32 s24, $0x1;
	s6 =	sshll.u32 s2, $0x5  }
0xc: {  	s2 =	sshll.u32 s2, $0xF;
	s4 =	ssub.s32 s24, s5;
	s25 =	sadd.s32 s0, s6  }
0xd: {  	s5 =	sadd.s32 $0x1900, s0;
	s6 =	sadd.s32 $0x1A00, s0;
	s12 =	sadd.s32 s1, s2  }
0xe: {  	v2 =	vlaneseq.u32;
	s24 =	simm.s32 $0x4900;
	s0 =	simm.s32 $0x1;
	s1 =	simm.s32 $0x8100  }
0xf: {  	vm0 =	vmmov $0xffff;
	v1 =	vshrl.u32 v2, $0x3;
	[dreg:$0x3] =	wrdreg s25;
	s26 =	smax.u32 s4, $0x1;
	s25 =	simm.s32 $0x5100  }
0x10: {  	v0 =	vand.u32 $0x7, v2;
	v2 =	vor.u32 $0x8, v2;
	v1 =	vmul.u32 $0x8, v1;
	s4 =	simm.s32 $0x0;
	[dreg:$0x4] =	wrdreg s26;
	s26 =	simm.s32 $0x5900  }
.LBB2_1:
0x11: {  	[dreg:$0x5] =	wrdreg s4  }
0x12: {  	s2 =	simm.s32 $0x0;
	s18 =	rddreg [dreg:$0x3]  }
0x13: {  	[tilespmem:s2], [sflag:$0x2] =	stream.linear.gather [hbm4b:s18+s2], $0x100, $0x38;
	[tilespmem:$0xC100] =	vst v63  }
0x14: {  	_ =	swait.ge [sflag:s14], $0x100  }
0x15: {  	[sflag:s14] =	ssyncset.done $0x0  }
0x16: {  	s13 =	simm.s32 $0x0;
	[sflag:s14] =	ssyncadd.s32 $0xFFFFFF00  }
.LBB2_2:
0x17: {  	s2 =	sshll.u32 s13, $0x4  }
0x18: {  	s2 =	sand.u32 $0x3FFFFFF0, s2  }
0x19: {  	v3 =	vld [tilespmem:s2+$0x0];
	_ =	sdelay $0x4  }
0x1a: {  	v4 =	vshll.u32 v3, $0x4  }
0x1b: {  	v3 =	vand.u32 $0x7, v3;
	v4 =	vand.u32 $0xFFFFFF80, v4  }
0x1c: {  	v3 =	vor.u32 v3, v4  }
0x1d: {  	v4 =	vperm.xlane v3, v0;
	_ =	sdelay $0x1  }
0x1e: {  	v4 =	vadd.s32 v1, v4;
	_ =	sdelay $0x3  }
0x1f: {  	s4 =	simm.s32 $0x0;
	s16 =	simm.s32 $0x100  }
0x20: {  	[tilespmem:s16], [sflag:$0x1] =	stream.indirect_vreg.gather [hbm4b:s3+s4], $0x80, v4, vm0, $0xb8;
	[tilespmem:$0xC100] =	vst v63  }
0x21: {  	s17 =	simm.s32 $0x900  }
0x22: {  	[tilespmem:s17], [sflag:$0x1] =	stream.indirect_vreg.gather [hbm4b:s5+s4], $0x80, v4, vm0, $0xb8;
	[tilespmem:$0xC100] =	vst v63  }
0x23: {  	s18 =	simm.s32 $0x1100  }
0x24: {  	[tilespmem:s18], [sflag:$0x1] =	stream.indirect_vreg.gather [hbm4b:s6+s4], $0x80, v4, vm0, $0xb8;
	[tilespmem:$0xC100] =	vst v63  }
0x25: {  	s15 =	simm.s32 $0x1900  }
0x26: {  	[tilespmem:s15], [sflag:$0x1] =	stream.indirect_vreg.gather [hbm4b:s7+s4], $0x80, v4, vm0, $0xb8;
	[tilespmem:$0xC100] =	vst v63  }
0x27: {  	_ = 	snop  }
0x28: {  	[tilespmem:s19], [sflag:$0x1] =	stream.indirect_vreg.gather [hbm4b:s8+s4], $0x80, v4, vm0, $0xb8;
	[tilespmem:$0xC100] =	vst v63  }
0x29: {  	v3 =	vperm.xlane v3, v2  }
0x2a: {  	[tilespmem:s20], [sflag:$0x1] =	stream.indirect_vreg.gather [hbm4b:s9+s4], $0x80, v4, vm0, $0xb8;
	[tilespmem:$0xC100] =	vst v63  }
0x2b: {  	v3 =	vadd.s32 v1, v3  }
0x2c: {  	[tilespmem:s21], [sflag:$0x1] =	stream.indirect_vreg.gather [hbm4b:s10+s4], $0x80, v4, vm0, $0xb8;
	[tilespmem:$0xC100] =	vst v63  }
0x2d: {  	_ = 	snop  }
0x2e: {  	[tilespmem:s22], [sflag:$0x1] =	stream.indirect_vreg.gather [hbm4b:s11+s4], $0x80, v4, vm0, $0xb8;
	[tilespmem:$0xC100] =	vst v63  }
0x2f: {  	_ = 	snop  }
0x30: {  	[tilespmem:s23], [sflag:$0x1] =	stream.indirect_vreg.gather [hbm4b:s3+s4], $0x80, v3, vm0, $0xb8;
	[tilespmem:$0xC100] =	vst v63  }
0x31: {  	_ = 	snop  }
0x32: {  	[tilespmem:s24], [sflag:$0x1] =	stream.indirect_vreg.gather [hbm4b:s5+s4], $0x80, v3, vm0, $0xb8;
	[tilespmem:$0xC100] =	vst v63  }
0x33: {  	_ = 	snop  }
0x34: {  	[tilespmem:s25], [sflag:$0x1] =	stream.indirect_vreg.gather [hbm4b:s6+s4], $0x80, v3, vm0, $0xb8;
	[tilespmem:$0xC100] =	vst v63  }
0x35: {  	_ = 	snop  }
0x36: {  	[tilespmem:s26], [sflag:$0x1] =	stream.indirect_vreg.gather [hbm4b:s7+s4], $0x80, v3, vm0, $0xb8;
	[tilespmem:$0xC100] =	vst v63  }
0x37: {  	_ = 	snop  }
0x38: {  	[tilespmem:s28], [sflag:$0x1] =	stream.indirect_vreg.gather [hbm4b:s8+s4], $0x80, v3, vm0, $0xb8;
	[tilespmem:$0xC100] =	vst v63  }
0x39: {  	_ = 	snop  }
0x3a: {  	[tilespmem:s29], [sflag:$0x1] =	stream.indirect_vreg.gather [hbm4b:s9+s4], $0x80, v3, vm0, $0xb8;
	[tilespmem:$0xC100] =	vst v63  }
0x3b: {  	_ = 	snop  }
0x3c: {  	[tilespmem:s30], [sflag:$0x1] =	stream.indirect_vreg.gather [hbm4b:s10+s4], $0x80, v3, vm0, $0xb8;
	[tilespmem:$0xC100] =	vst v63  }
0x3d: {  	_ = 	snop  }
0x3e: {  	[tilespmem:s31], [sflag:$0x1] =	stream.indirect_vreg.gather [hbm4b:s11+s4], $0x80, v3, vm0, $0xb8;
	[tilespmem:$0xC100] =	vst v63  }
0x3f: {  	_ =	swait.ge [sflag:s0], $0x8000  }
0x40: {  	s16 =	sand.u32 $0x70, s4;
	s15 =	sand.u32 $0x3C00, s4;
	[sflag:s0] =	ssyncset.done $0x0  }
0x41: {  	s2 =	sor.u32 s16, s15;
	[sflag:s0] =	ssyncadd.s32 $0xFFFF8000  }
0x42: {  	v3 =	vld [tilespmem:s2+$0x4100]  }
0x43: {  	v4 =	vld [tilespmem:s2+$0x100]  }
0x44: {  	v5 =	vld [tilespmem:s2+$0x180]  }
0x45: {  	v6 =	vld [tilespmem:s2+$0x4180]  }
0x46: {  	v7 =	vld [tilespmem:s2+$0x200]  }
0x47: {  	v8 =	vld [tilespmem:s2+$0x4200]  }
0x48: {  	v9 =	vld [tilespmem:s2+$0x280]  }
0x49: {  	v10 =	vld [tilespmem:s2+$0x4280]  }
0x4a: {  	v11 =	vld [tilespmem:s2+$0x300]  }
0x4b: {  	v12 =	vld [tilespmem:s2+$0x4300]  }
0x4c: {  	v13 =	vld [tilespmem:s2+$0x380]  }
0x4d: {  	v14 =	vld [tilespmem:s2+$0x4380]  }
0x4e: {  	v3 =	vadd.f32 v3, v4;
	v4 =	vld [tilespmem:s2+$0x400]  }
0x4f: {  	v5 =	vadd.f32 v6, v5;
	v6 =	vld [tilespmem:s2+$0x4400]  }
0x50: {  	[tilespmem:s2+$0x8100] =	vst v3;
	v3 =	vadd.f32 v8, v7  }
0x51: {  	[tilespmem:s2+$0x8180] =	vst v5;
	v5 =	vadd.f32 v10, v9  }
0x52: {  	[tilespmem:s2+$0x8200] =	vst v3;
	v3 =	vadd.f32 v12, v11  }
0x53: {  	s17 =	sand.u32 $0x7, s4;
	[tilespmem:s2+$0x8280] =	vst v5;
	v5 =	vadd.f32 v14, v13  }
0x54: {  	s15 =	sshll.u32 s17, $0x4;
	[tilespmem:s2+$0x8300] =	vst v3;
	v3 =	vadd.f32 v6, v4  }
0x55: {  	s15 =	sadd.s32 $0x0, s15;
	[tilespmem:s2+$0x8380] =	vst v5  }
0x56: {  	s16 =	sor.u32 $0x380, s15;
	[tilespmem:s2+$0x8400] =	vst v3;
	v3 =	vld [tilespmem:s2+$0x4480]  }
0x57: {  	v4 =	vld [tilespmem:s16+$0x100];
	_ =	sdelay $0x4  }
0x58: {  	s18 =	simm.s32 $0x10;
	s2 =	simm.s32 $0x80;
	v3 =	vadd.f32 v3, v4  }
0x59: {  	s15 =	sand.u32 $0x70, s18;
	s17 =	sand.u32 $0x3C00, s2  }
0x5a: {  	s15 =	sor.u32 s15, s17;
	[tilespmem:s16+$0x8100] =	vst v3  }
0x5b: {  	v3 =	vld [tilespmem:s15+$0x4100]  }
0x5c: {  	v9 =	vld [tilespmem:s15+$0x100]  }
0x5d: {  	v6 =	vld [tilespmem:s15+$0x180]  }
0x5e: {  	v12 =	vld [tilespmem:s15+$0x4180]  }
0x5f: {  	v4 =	vld [tilespmem:s15+$0x200]  }
0x60: {  	v10 =	vld [tilespmem:s15+$0x4200]  }
0x61: {  	v7 =	vld [tilespmem:s15+$0x280]  }
0x62: {  	v13 =	vld [tilespmem:s15+$0x4280]  }
0x63: {  	v8 =	vld [tilespmem:s15+$0x300]  }
0x64: {  	v14 =	vld [tilespmem:s15+$0x4300]  }
0x65: {  	v5 =	vld [tilespmem:s15+$0x380]  }
0x66: {  	s16 =	simm.s32 $0x20;
	v11 =	vld [tilespmem:s15+$0x4380]  }
.LBB2_3:
0x67: {  	p0 =	sne.s32 s16, $0x7F0;
	v3 =	vadd.f32 v3, v9;
	v9 =	vld [tilespmem:s15+$0x400]  }
0x68: {  	v6 =	vadd.f32 v12, v6;
	v12 =	vld [tilespmem:s15+$0x4400]  }
0x69: {  	[tilespmem:s15+$0x8100] =	vst v3;
	v3 =	vadd.f32 v10, v4  }
0x6a: {  	v4 =	vadd.f32 v13, v7;
	[tilespmem:s15+$0x8180] =	vst v6  }
0x6b: {  	s4 =	sadd.s32 $0x1, s4;
	[tilespmem:s15+$0x8200] =	vst v3;
	v3 =	vadd.f32 v14, v8  }
0x6c: {  	s17 =	sand.u32 $0x7, s4;
	[tilespmem:s15+$0x8280] =	vst v4;
	v4 =	vadd.f32 v11, v5  }
0x6d: {  	s17 =	sshll.u32 s17, $0x4;
	[tilespmem:s15+$0x8300] =	vst v3;
	v3 =	vadd.f32 v12, v9  }
0x6e: {  	s17 =	sadd.s32 s17, s2;
	[tilespmem:s15+$0x8380] =	vst v4  }
0x6f: {  	s17 =	sor.u32 $0x380, s17;
	[tilespmem:s15+$0x8400] =	vst v3;
	v3 =	vld [tilespmem:s15+$0x4480]  }
0x70: {  	v4 =	vld [tilespmem:s17+$0x100];
	_ =	sdelay $0x4  }
0x71: {  	s2 =	sadd.s32 $0x80, s2;
	v3 =	vadd.f32 v3, v4  }
0x72: {  	s18 =	sand.u32 $0x3C00, s2;
	s15 =	sand.u32 $0x70, s16  }
0x73: {  	s15 =	sor.u32 s15, s18;
	[tilespmem:s17+$0x8100] =	vst v3  }
0x74: {  	v3 =	vld [tilespmem:s15+$0x4100]  }
0x75: {  	v9 =	vld [tilespmem:s15+$0x100]  }
0x76: {  	v6 =	vld [tilespmem:s15+$0x180]  }
0x77: {  	v12 =	vld [tilespmem:s15+$0x4180]  }
0x78: {  	v4 =	vld [tilespmem:s15+$0x200]  }
0x79: {  	v10 =	vld [tilespmem:s15+$0x4200]  }
0x7a: {  	v7 =	vld [tilespmem:s15+$0x280]  }
.Ltmp0:
0x7b: {  	v13 =	vld [tilespmem:s15+$0x4280];
	(pc) =	sbr.rel @p0 .LBB2_3-.Ltmp0, $4  }
0x7c: {  	v8 =	vld [tilespmem:s15+$0x300]  }
0x7d: {  	v14 =	vld [tilespmem:s15+$0x4300]  }
0x7e: {  	v5 =	vld [tilespmem:s15+$0x380]  }
0x7f: {  	s16 =	sadd.s32 $0x10, s16;
	v11 =	vld [tilespmem:s15+$0x4380]  }
0x80: {  	v3 =	vadd.f32 v3, v9;
	v60 =	vld [tilespmem:s15+$0x400]  }
0x81: {  	v6 =	vadd.f32 v12, v6;
	v61 =	vld [tilespmem:s15+$0x4400]  }
0x82: {  	[tilespmem:s15+$0x8100] =	vst v3;
	v3 =	vadd.f32 v10, v4  }
0x83: {  	v62 =	vadd.f32 v13, v7;
	[tilespmem:s15+$0x8180] =	vst v6  }
0x84: {  	s4 =	sadd.s32 $0x1, s4;
	[tilespmem:s15+$0x8200] =	vst v3;
	v3 =	vadd.f32 v14, v8  }
0x85: {  	s4 =	sand.u32 $0x7, s4;
	[tilespmem:s15+$0x8280] =	vst v62;
	v63 =	vadd.f32 v11, v5  }
0x86: {  	s4 =	sshll.u32 s4, $0x4;
	[tilespmem:s15+$0x8300] =	vst v3;
	v3 =	vadd.f32 v61, v60  }
0x87: {  	s2 =	sadd.s32 s4, s2;
	[tilespmem:s15+$0x8380] =	vst v63  }
0x88: {  	s2 =	sor.u32 $0x380, s2;
	[tilespmem:s15+$0x8400] =	vst v3;
	v3 =	vld [tilespmem:s15+$0x4480]  }
0x89: {  	v4 =	vld [tilespmem:s2+$0x100];
	_ =	sdelay $0x4  }
0x8a: {  	s16 =	sshll.u32 s13, $0xB;
	s13 =	sadd.s32 $0x1, s13;
	v3 =	vadd.f32 v3, v4  }
0x8b: {  	p0 =	sne.s32 s13, $0x10  }
.Ltmp1:
0x8c: {  	s18 =	simm.s32 $0x0;
	s17 =	sadd.s32 s16, s12;
	[tilespmem:s2+$0x8100] =	vst v3;
	(pc) =	sbr.rel @p0 .LBB2_2-.Ltmp1, $4  }
0x8d: {  	[hbm4b:s17+s18] =	stream.linear.scatter [tilespmem:s1], [sflag:$0x2], $0x4000, $0x38;
	[tilespmem:$0xC100] =	vst v63  }
0x8e: {  	_ =	swait.ge [sflag:s14], $0x4000  }
0x8f: {  	[sflag:s14] =	ssyncset.done $0x0  }
0x90: {  	[sflag:s14] =	ssyncadd.s32 $0xFFFFC000  }
0x91: {  	s4 =	rddreg [dreg:$0x5]  }
0x92: {  	s2 =	rddreg [dreg:$0x4];
	s4 =	sadd.s32 $0x1, s4  }
0x93: {  	p0 =	sne.s32 s4, s2  }
.Ltmp2:
0x94: {  	_ = 	snop;
	(pc) =	sbr.rel @p0 .LBB2_1-.Ltmp2, $1  }
0x95: {  	_ =	sdelay $0x3  }
0x96: {  	_ =	sfence.sel $0x180000  }
0x97: {  	[bflag:$0x0] =	sbarrier.arrive $0xFFFF  }
0x98: {  	_ =	strace $0x9000004D  }
0x99: {  	s0 =	stileid.u32;
	[bflag:$0x2] =	sbarrier.arrive $0xFFFF  }
0x9a: {  	p0 =	sne.s32 s0, $0x0;
	s0 =	rddreg [dreg:$0x2]  }
0x9b: {  	s0 =	sadd.s32 @!p0 $0x100000, s0  }
0x9c: {  	[sflag:s0] =	ssyncadd.tile.s32 @!p0 $0x1;
	_ =	shalt  }
.Lfunc_end2:
_tile_overlayer_lowered:
.L_overlay_start_2:
0x9d: {  	(tag) =	ssettag $0x2  }
0x9e: {  	s0 =	rddreg [dreg:$0x0];
	s2 =	stileid.u32  }
0x9f: {  	s1 =	rddreg [dreg:$0x1];
	p0 =	sne.s32 s2, $0x0  }
0xa0: {  	s3 =	rddreg [dreg:$0x2];
	[bflag:$0x3] =	sbarrier.arrive $0xFFFF;
	s2 =	simm.s32 @!p0 $0x1C02  }
0xa1: {  	[timem:s3], [sflag:s2] =	dma.local @!p0 [hbm:s0], s1  }
0xa2: {  	s0 =	simm.s32 @!p0 $0x2  }
0xa3: {  	_ =	swait.ge @!p0 [sflag:s0], s1  }
0xa4: {  	s1 =	ssub.s32 @!p0 $0x0, s1;
	[sflag:s0] =	ssyncset.done @!p0 $0x0  }
0xa5: {  	[sflag:s0] =	ssyncadd.s32 @!p0 s1  }
0xa6: {  	[bflag:$0x3] =	sbarrier.arrive $0xFFFF  }
0xa7: {  	_ =	shalt  }

</sc_bundles>
